<compile_context>
chip_gen: v7x
topology: tpu7x:2x2x1
jax: 0.10.2.dev20260603
libtpu: 0.0.44.dev20260713+nightly
codegen_flags: <defaults>
</compile_context>

<pallas_src>
import functools

import jax
import jax.numpy as jnp
from jax import lax
from jax.experimental import pallas as pl
from jax.experimental.pallas import tpu as pltpu
from jax.experimental.pallas import tpu_sc as plsc

VOCAB = 1000
EMBED_DIM = 128
BATCH = 4096
HIST = 200

_INFO = plsc.get_sparse_core_info()
NC = _INFO.num_cores
NS = _INFO.num_subcores
NW = NC * NS
TOTAL = BATCH * HIST
CHUNK = 128
PER_W = TOTAL // NW
NCHUNK = PER_W // CHUNK
NBUF = 5
PREF = 3

_mesh = plsc.VectorSubcoreMesh(core_axis_name="c", subcore_axis_name="s")


@functools.partial(
    pl.kernel,
    mesh=_mesh,
    out_type=jax.ShapeDtypeStruct((TOTAL, EMBED_DIM), jnp.float32),
    scratch_types=[
        pltpu.VMEM((NCHUNK, CHUNK), jnp.int32),
        pltpu.VMEM((NBUF, CHUNK, EMBED_DIM), jnp.float32),
        pltpu.VMEM_SHARED((VOCAB, EMBED_DIM), jnp.float32),
        pltpu.SemaphoreType.DMA((NBUF,)),
        pltpu.SemaphoreType.DMA((NBUF,)),
    ],
)
def _gather_kernel(idx_hbm, table_hbm, out_hbm, idx_v, rows_v, table_sh, gsem, ssem):
    sid = lax.axis_index("s")
    wid = sid * NC + lax.axis_index("c")
    base = wid * PER_W

    @pl.when(sid == 0)
    def _stage():
        pltpu.sync_copy(table_hbm, table_sh)

    pltpu.sync_copy(idx_hbm.at[wid], idx_v)
    plsc.subcore_barrier()

    def gather(j, b):
        return pltpu.make_async_copy(
            table_sh.at[idx_v.at[j]], rows_v.at[b], gsem.at[b])

    def store(j, b):
        return pltpu.make_async_copy(
            rows_v.at[b], out_hbm.at[pl.ds(base + j * CHUNK, CHUNK)], ssem.at[b])

    for c in range(PREF):
        gather(c, c % NBUF).start()

    def step(i, carry):
        for u in range(NBUF):
            j = i * NBUF + u
            gather(j, u).wait()
            store(j, u).start()
            bn = (u + PREF) % NBUF
            if u < NBUF - PREF:
                @pl.when(i > 0)
                def _wait_prev():
                    store(j + PREF - NBUF, bn).wait()
                gather(j + PREF, bn).start()
            else:
                store(j + PREF - NBUF, bn).wait()

                @pl.when(j + PREF < NCHUNK)
                def _prefetch():
                    gather(j + PREF, bn).start()
        return carry

    lax.fori_loop(0, NCHUNK // NBUF, step, 0)

    for c in range(NCHUNK - (NBUF - PREF), NCHUNK):
        store(c, c % NBUF).wait()


def kernel(batch, weight):
    idx = batch.astype(jnp.int32).reshape(NW, NCHUNK, CHUNK)
    out = _gather_kernel(idx, weight)
    return out.reshape(BATCH, HIST, EMBED_DIM)

# --- scband reference (transcript-rebuilt; emitter-appended) ---
"""Pipeline reference for scband-embeddings-layer-43782896615773 (READ-ONLY COPY).

The authoritative reference and input builder live on the scoring server;
editing this copy changes nothing except your own understanding.
"""

import jax, jax.numpy as jnp
import numpy as np

VOCAB = 1000
EMBED_DIM = 128
BATCH = 4096
HIST = 200


def setup_inputs(seed: int = 0) -> dict:
    key = jax.random.key(seed)
    k1, k2 = jax.random.split(key)
    batch = jax.random.randint(k1, (BATCH, HIST), 0, VOCAB)
    # nn.Embedding default init is N(0, 1)
    weight = jax.random.normal(k2, (VOCAB, EMBED_DIM), dtype=jnp.float32)
    return {"batch": batch, "weight": weight}


def reference(batch, weight):
    # EmbeddingsLayer.forward: self.embeddings(batch) == row gather from table
    return jnp.take(weight, batch, axis=0)

if __name__ == "__main__":
    import jax
    _d = setup_inputs()
    print(jax.jit(kernel)(*tuple(_d.values())))

</pallas_src>

<mosaic_0001>
#map = affine_map<(d0, d1) -> (0, 0, 0)>
#map1 = affine_map<(d0, d1) -> (0, 0)>
module attributes {stable_mosaic.version = 14 : i64} {
  func.func @_gather_kernel(%arg0: i32, %arg1: i32, %arg2: memref<32x200x128xi32, #tpu.memory_space<hbm>>, %arg3: memref<1000x128xf32, #tpu.memory_space<hbm>>, %arg4: memref<819200x128xf32, #tpu.memory_space<hbm>>, %arg5: memref<200x128xi32, #tpu.memory_space<vmem>>, %arg6: memref<5x128x128xf32, #tpu.memory_space<vmem>>, %arg7: memref<1000x128xf32, #tpu.memory_space<vmem_shared>>, %arg8: memref<5x!tpu.dma_semaphore, #tpu.memory_space<semaphore_mem>>, %arg9: memref<5x!tpu.dma_semaphore, #tpu.memory_space<semaphore_mem>>) attributes {dimension_semantics = [#tpu.dimension_semantics<core_parallel>, #tpu.dimension_semantics<subcore_parallel>], iteration_bounds = array<i64: 2, 16>, scalar_prefetch = 0 : i64, scratch_operands = 5 : i64, tpu.core_type = #tpu.core_type<sc_vector_subcore>, window_params = [{transform_indices = #map}, {transform_indices = #map1}, {transform_indices = #map1}]} {
    %mul3A = arith.constant 2 : i32
    %mul3A_0 = arith.muli %arg1, %mul3A : i32
    %add3A = arith.addi %mul3A_0, %arg0 : i32
    %mul3A_1 = arith.constant 25600 : i32
    %mul3A_2 = arith.muli %add3A, %mul3A_1 : i32
    %eq3A = arith.constant 0 : i32
    %eq3A_3 = arith.cmpi eq, %arg1, %eq3A : i32
    %convert_element_type3A = arith.extui %eq3A_3 : i1 to i32
    %cond3A = arith.constant 0 : i32
    %cond3A_4 = arith.cmpi ne, %convert_element_type3A, %cond3A : i32
    scf.if %cond3A_4 {
      "tpu.region"() ({
        %run_scoped3A = tpu.sem_alloc : memref<!tpu.dma_semaphore, #tpu.memory_space<semaphore_mem>>
        tpu.enqueue_dma source(%arg3 : memref<1000x128xf32, #tpu.memory_space<hbm>>) target(%arg7 : memref<1000x128xf32, #tpu.memory_space<vmem_shared>>) target_semaphore(%run_scoped3A : memref<!tpu.dma_semaphore, #tpu.memory_space<semaphore_mem>>)
        tpu.wait_dma2 semaphore(%run_scoped3A : memref<!tpu.dma_semaphore, #tpu.memory_space<semaphore_mem>>) src(%arg3 : memref<1000x128xf32, #tpu.memory_space<hbm>>) dst(%arg7 : memref<1000x128xf32, #tpu.memory_space<vmem_shared>>)
        tpu.yield
      }) : () -> ()
    } else {
    }
    "tpu.region"() ({
      %run_scoped3A = tpu.sem_alloc : memref<!tpu.dma_semaphore, #tpu.memory_space<semaphore_mem>>
      %dma_start3A_89 = arith.constant 0 : i32
      %dma_start3A_90 = arith.constant 0 : i32
      %dma_start3A_91 = tpu.memref_slice %arg2[%add3A, %dma_start3A_89, %dma_start3A_90] : memref<32x200x128xi32, #tpu.memory_space<hbm>> -> memref<1x200x128xi32, #tpu.memory_space<hbm>>
      %dma_start3A_92 = tpu.memref_squeeze %dma_start3A_91 : memref<1x200x128xi32, #tpu.memory_space<hbm>> -> memref<200x128xi32, #tpu.memory_space<hbm>>
      %dma_start3A_93 = arith.constant 0 : i32
      %dma_start3A_94 = arith.constant 0 : i32
      %dma_start3A_95 = tpu.memref_slice %arg2[%add3A, %dma_start3A_93, %dma_start3A_94] : memref<32x200x128xi32, #tpu.memory_space<hbm>> -> memref<1x200x128xi32, #tpu.memory_space<hbm>>
      %dma_start3A_96 = tpu.memref_squeeze %dma_start3A_95 : memref<1x200x128xi32, #tpu.memory_space<hbm>> -> memref<200x128xi32, #tpu.memory_space<hbm>>
      tpu.enqueue_dma source(%dma_start3A_96 : memref<200x128xi32, #tpu.memory_space<hbm>>) target(%arg5 : memref<200x128xi32, #tpu.memory_space<vmem>>) target_semaphore(%run_scoped3A : memref<!tpu.dma_semaphore, #tpu.memory_space<semaphore_mem>>)
      %dma_wait3A_97 = arith.constant 0 : i32
      %dma_wait3A_98 = arith.constant 0 : i32
      %dma_wait3A_99 = tpu.memref_slice %arg2[%add3A, %dma_wait3A_97, %dma_wait3A_98] : memref<32x200x128xi32, #tpu.memory_space<hbm>> -> memref<1x200x128xi32, #tpu.memory_space<hbm>>
      %dma_wait3A_100 = tpu.memref_squeeze %dma_wait3A_99 : memref<1x200x128xi32, #tpu.memory_space<hbm>> -> memref<200x128xi32, #tpu.memory_space<hbm>>
      %dma_wait3A_101 = arith.constant 0 : i32
      %dma_wait3A_102 = arith.constant 0 : i32
      %dma_wait3A_103 = tpu.memref_slice %arg2[%add3A, %dma_wait3A_101, %dma_wait3A_102] : memref<32x200x128xi32, #tpu.memory_space<hbm>> -> memref<1x200x128xi32, #tpu.memory_space<hbm>>
      %dma_wait3A_104 = tpu.memref_squeeze %dma_wait3A_103 : memref<1x200x128xi32, #tpu.memory_space<hbm>> -> memref<200x128xi32, #tpu.memory_space<hbm>>
      tpu.wait_dma2 semaphore(%run_scoped3A : memref<!tpu.dma_semaphore, #tpu.memory_space<semaphore_mem>>) src(%dma_wait3A_104 : memref<200x128xi32, #tpu.memory_space<hbm>>) dst(%arg5 : memref<200x128xi32, #tpu.memory_space<vmem>>)
      tpu.yield
    }) : () -> ()
    %barrier3A = arith.constant 0 : index
    tpu.barrier barrier_id(%barrier3A)
    %dma_start3A = arith.constant 0 : i32
    %dma_start3A_5 = arith.constant 0 : i32
    %dma_start3A_6 = arith.constant 0 : i32
    %dma_start3A_7 = arith.constant 0 : i32
    %dma_start3A_8 = arith.constant 0 : i32
    %dma_start3A_9 = tpu.memref_slice %arg6[%dma_start3A_5, %dma_start3A_7, %dma_start3A_8] : memref<5x128x128xf32, #tpu.memory_space<vmem>> -> memref<1x128x128xf32, #tpu.memory_space<vmem>>
    %dma_start3A_10 = tpu.memref_squeeze %dma_start3A_9 : memref<1x128x128xf32, #tpu.memory_space<vmem>> -> memref<128x128xf32, #tpu.memory_space<vmem>>
    %dma_start3A_11 = arith.constant 0 : i32
    %dma_start3A_12 = tpu.memref_slice %arg5[%dma_start3A, %dma_start3A_11] : memref<200x128xi32, #tpu.memory_space<vmem>> -> memref<1x128xi32, #tpu.memory_space<vmem>>
    %dma_start3A_13 = tpu.memref_squeeze %dma_start3A_12 : memref<1x128xi32, #tpu.memory_space<vmem>> -> memref<128xi32, #tpu.memory_space<vmem>>
    %dma_start3A_14 = arith.constant 0 : i32
    %dma_start3A_15 = arith.constant 0 : i32
    %dma_start3A_16 = tpu.memref_slice %arg7[%dma_start3A_14, %dma_start3A_15] : memref<1000x128xf32, #tpu.memory_space<vmem_shared>> -> memref<1000x128xf32, #tpu.memory_space<vmem_shared>>
    %dma_start3A_17 = tpu.memref_slice %arg8[%dma_start3A_6] : memref<5x!tpu.dma_semaphore, #tpu.memory_space<semaphore_mem>> -> memref<1x!tpu.dma_semaphore, #tpu.memory_space<semaphore_mem>>
    %dma_start3A_18 = tpu.memref_squeeze %dma_start3A_17 : memref<1x!tpu.dma_semaphore, #tpu.memory_space<semaphore_mem>> -> memref<!tpu.dma_semaphore, #tpu.memory_space<semaphore_mem>>
    tpu.enqueue_indirect_dma source(%dma_start3A_16 : memref<1000x128xf32, #tpu.memory_space<vmem_shared>>) target(%dma_start3A_10 : memref<128x128xf32, #tpu.memory_space<vmem>>) offsets(%dma_start3A_13 : memref<128xi32, #tpu.memory_space<vmem>>) semaphore(%dma_start3A_18 : memref<!tpu.dma_semaphore, #tpu.memory_space<semaphore_mem>>)
    %dma_start3A_19 = arith.constant 1 : i32
    %dma_start3A_20 = arith.constant 1 : i32
    %dma_start3A_21 = arith.constant 1 : i32
    %dma_start3A_22 = arith.constant 0 : i32
    %dma_start3A_23 = arith.constant 0 : i32
    %dma_start3A_24 = tpu.memref_slice %arg6[%dma_start3A_20, %dma_start3A_22, %dma_start3A_23] : memref<5x128x128xf32, #tpu.memory_space<vmem>> -> memref<1x128x128xf32, #tpu.memory_space<vmem>>
    %dma_start3A_25 = tpu.memref_squeeze %dma_start3A_24 : memref<1x128x128xf32, #tpu.memory_space<vmem>> -> memref<128x128xf32, #tpu.memory_space<vmem>>
    %dma_start3A_26 = arith.constant 0 : i32
    %dma_start3A_27 = tpu.memref_slice %arg5[%dma_start3A_19, %dma_start3A_26] : memref<200x128xi32, #tpu.memory_space<vmem>> -> memref<1x128xi32, #tpu.memory_space<vmem>>
    %dma_start3A_28 = tpu.memref_squeeze %dma_start3A_27 : memref<1x128xi32, #tpu.memory_space<vmem>> -> memref<128xi32, #tpu.memory_space<vmem>>
    %dma_start3A_29 = arith.constant 0 : i32
    %dma_start3A_30 = arith.constant 0 : i32
    %dma_start3A_31 = tpu.memref_slice %arg7[%dma_start3A_29, %dma_start3A_30] : memref<1000x128xf32, #tpu.memory_space<vmem_shared>> -> memref<1000x128xf32, #tpu.memory_space<vmem_shared>>
    %dma_start3A_32 = tpu.memref_slice %arg8[%dma_start3A_21] : memref<5x!tpu.dma_semaphore, #tpu.memory_space<semaphore_mem>> -> memref<1x!tpu.dma_semaphore, #tpu.memory_space<semaphore_mem>>
    %dma_start3A_33 = tpu.memref_squeeze %dma_start3A_32 : memref<1x!tpu.dma_semaphore, #tpu.memory_space<semaphore_mem>> -> memref<!tpu.dma_semaphore, #tpu.memory_space<semaphore_mem>>
    tpu.enqueue_indirect_dma source(%dma_start3A_31 : memref<1000x128xf32, #tpu.memory_space<vmem_shared>>) target(%dma_start3A_25 : memref<128x128xf32, #tpu.memory_space<vmem>>) offsets(%dma_start3A_28 : memref<128xi32, #tpu.memory_space<vmem>>) semaphore(%dma_start3A_33 : memref<!tpu.dma_semaphore, #tpu.memory_space<semaphore_mem>>)
    %dma_start3A_34 = arith.constant 2 : i32
    %dma_start3A_35 = arith.constant 2 : i32
    %dma_start3A_36 = arith.constant 2 : i32
    %dma_start3A_37 = arith.constant 0 : i32
    %dma_start3A_38 = arith.constant 0 : i32
    %dma_start3A_39 = tpu.memref_slice %arg6[%dma_start3A_35, %dma_start3A_37, %dma_start3A_38] : memref<5x128x128xf32, #tpu.memory_space<vmem>> -> memref<1x128x128xf32, #tpu.memory_space<vmem>>
    %dma_start3A_40 = tpu.memref_squeeze %dma_start3A_39 : memref<1x128x128xf32, #tpu.memory_space<vmem>> -> memref<128x128xf32, #tpu.memory_space<vmem>>
    %dma_start3A_41 = arith.constant 0 : i32
    %dma_start3A_42 = tpu.memref_slice %arg5[%dma_start3A_34, %dma_start3A_41] : memref<200x128xi32, #tpu.memory_space<vmem>> -> memref<1x128xi32, #tpu.memory_space<vmem>>
    %dma_start3A_43 = tpu.memref_squeeze %dma_start3A_42 : memref<1x128xi32, #tpu.memory_space<vmem>> -> memref<128xi32, #tpu.memory_space<vmem>>
    %dma_start3A_44 = arith.constant 0 : i32
    %dma_start3A_45 = arith.constant 0 : i32
    %dma_start3A_46 = tpu.memref_slice %arg7[%dma_start3A_44, %dma_start3A_45] : memref<1000x128xf32, #tpu.memory_space<vmem_shared>> -> memref<1000x128xf32, #tpu.memory_space<vmem_shared>>
    %dma_start3A_47 = tpu.memref_slice %arg8[%dma_start3A_36] : memref<5x!tpu.dma_semaphore, #tpu.memory_space<semaphore_mem>> -> memref<1x!tpu.dma_semaphore, #tpu.memory_space<semaphore_mem>>
    %dma_start3A_48 = tpu.memref_squeeze %dma_start3A_47 : memref<1x!tpu.dma_semaphore, #tpu.memory_space<semaphore_mem>> -> memref<!tpu.dma_semaphore, #tpu.memory_space<semaphore_mem>>
    tpu.enqueue_indirect_dma source(%dma_start3A_46 : memref<1000x128xf32, #tpu.memory_space<vmem_shared>>) target(%dma_start3A_40 : memref<128x128xf32, #tpu.memory_space<vmem>>) offsets(%dma_start3A_43 : memref<128xi32, #tpu.memory_space<vmem>>) semaphore(%dma_start3A_48 : memref<!tpu.dma_semaphore, #tpu.memory_space<semaphore_mem>>)
    %scan3A = arith.constant 0 : i32
    %scan3A_49 = arith.constant 0 : i32
    %scan3A_50 = arith.constant 40 : i32
    %scan3A_51 = arith.addi %scan3A_49, %scan3A_50 : i32
    %scan3A_52 = arith.constant 1 : i32
    scf.for %scan3A_89 = %scan3A_49 to %scan3A_51 step %scan3A_52  : i32 {
      %mul3A_90 = arith.constant 5 : i32
      %mul3A_91 = arith.muli %scan3A_89, %mul3A_90 : i32
      %add3A_92 = arith.constant 0 : i32
      %add3A_93 = arith.addi %mul3A_91, %add3A_92 : i32
      %dma_wait3A_94 = arith.constant 0 : i32
      %dma_wait3A_95 = arith.constant 0 : i32
      %dma_wait3A_96 = arith.constant 0 : i32
      %dma_wait3A_97 = arith.constant 0 : i32
      %dma_wait3A_98 = tpu.memref_slice %arg6[%dma_wait3A_94, %dma_wait3A_96, %dma_wait3A_97] : memref<5x128x128xf32, #tpu.memory_space<vmem>> -> memref<1x128x128xf32, #tpu.memory_space<vmem>>
      %dma_wait3A_99 = tpu.memref_squeeze %dma_wait3A_98 : memref<1x128x128xf32, #tpu.memory_space<vmem>> -> memref<128x128xf32, #tpu.memory_space<vmem>>
      %dma_wait3A_100 = arith.constant 0 : i32
      %dma_wait3A_101 = tpu.memref_slice %arg5[%add3A_93, %dma_wait3A_100] : memref<200x128xi32, #tpu.memory_space<vmem>> -> memref<1x128xi32, #tpu.memory_space<vmem>>
      %dma_wait3A_102 = tpu.memref_squeeze %dma_wait3A_101 : memref<1x128xi32, #tpu.memory_space<vmem>> -> memref<128xi32, #tpu.memory_space<vmem>>
      %dma_wait3A_103 = arith.constant 0 : i32
      %dma_wait3A_104 = arith.constant 0 : i32
      %dma_wait3A_105 = tpu.memref_slice %arg7[%dma_wait3A_103, %dma_wait3A_104] : memref<1000x128xf32, #tpu.memory_space<vmem_shared>> -> memref<1000x128xf32, #tpu.memory_space<vmem_shared>>
      %dma_wait3A_106 = tpu.memref_slice %arg8[%dma_wait3A_95] : memref<5x!tpu.dma_semaphore, #tpu.memory_space<semaphore_mem>> -> memref<1x!tpu.dma_semaphore, #tpu.memory_space<semaphore_mem>>
      %dma_wait3A_107 = tpu.memref_squeeze %dma_wait3A_106 : memref<1x!tpu.dma_semaphore, #tpu.memory_space<semaphore_mem>> -> memref<!tpu.dma_semaphore, #tpu.memory_space<semaphore_mem>>
      tpu.wait_indirect_dma semaphore(%dma_wait3A_107 : memref<!tpu.dma_semaphore, #tpu.memory_space<semaphore_mem>>) src(%dma_wait3A_105 : memref<1000x128xf32, #tpu.memory_space<vmem_shared>>) dst(%dma_wait3A_99 : memref<128x128xf32, #tpu.memory_space<vmem>>)
      %mul3A_108 = arith.constant 128 : i32
      %mul3A_109 = arith.muli %add3A_93, %mul3A_108 : i32
      %add3A_110 = arith.addi %mul3A_2, %mul3A_109 : i32
      %dma_start3A_111 = arith.constant 0 : i32
      %dma_start3A_112 = arith.constant 0 : i32
      %dma_start3A_113 = arith.constant 0 : i32
      %dma_start3A_114 = arith.constant 0 : i32
      %dma_start3A_115 = tpu.memref_slice %arg6[%dma_start3A_111, %dma_start3A_113, %dma_start3A_114] : memref<5x128x128xf32, #tpu.memory_space<vmem>> -> memref<1x128x128xf32, #tpu.memory_space<vmem>>
      %dma_start3A_116 = tpu.memref_squeeze %dma_start3A_115 : memref<1x128x128xf32, #tpu.memory_space<vmem>> -> memref<128x128xf32, #tpu.memory_space<vmem>>
      %dma_start3A_117 = arith.constant 0 : i32
      %dma_start3A_118 = tpu.memref_slice %arg4[%add3A_110, %dma_start3A_117] : memref<819200x128xf32, #tpu.memory_space<hbm>> -> memref<128x128xf32, #tpu.memory_space<hbm>>
      %dma_start3A_119 = tpu.memref_slice %arg9[%dma_start3A_112] : memref<5x!tpu.dma_semaphore, #tpu.memory_space<semaphore_mem>> -> memref<1x!tpu.dma_semaphore, #tpu.memory_space<semaphore_mem>>
      %dma_start3A_120 = tpu.memref_squeeze %dma_start3A_119 : memref<1x!tpu.dma_semaphore, #tpu.memory_space<semaphore_mem>> -> memref<!tpu.dma_semaphore, #tpu.memory_space<semaphore_mem>>
      %dma_start3A_121 = arith.constant 0 : i32
      %dma_start3A_122 = tpu.memref_slice %arg4[%add3A_110, %dma_start3A_121] : memref<819200x128xf32, #tpu.memory_space<hbm>> -> memref<128x128xf32, #tpu.memory_space<hbm>>
      %dma_start3A_123 = arith.constant 0 : i32
      %dma_start3A_124 = arith.constant 0 : i32
      %dma_start3A_125 = tpu.memref_slice %arg6[%dma_start3A_111, %dma_start3A_123, %dma_start3A_124] : memref<5x128x128xf32, #tpu.memory_space<vmem>> -> memref<1x128x128xf32, #tpu.memory_space<vmem>>
      %dma_start3A_126 = tpu.memref_squeeze %dma_start3A_125 : memref<1x128x128xf32, #tpu.memory_space<vmem>> -> memref<128x128xf32, #tpu.memory_space<vmem>>
      tpu.enqueue_dma source(%dma_start3A_126 : memref<128x128xf32, #tpu.memory_space<vmem>>) target(%dma_start3A_122 : memref<128x128xf32, #tpu.memory_space<hbm>>) target_semaphore(%dma_start3A_120 : memref<!tpu.dma_semaphore, #tpu.memory_space<semaphore_mem>>)
      %gt3A = arith.constant 0 : i32
      %gt3A_127 = arith.cmpi sgt, %scan3A_89, %gt3A : i32
      %convert_element_type3A_128 = arith.extui %gt3A_127 : i1 to i32
      %cond3A_129 = arith.constant 0 : i32
      %cond3A_130 = arith.cmpi ne, %convert_element_type3A_128, %cond3A_129 : i32
      scf.if %cond3A_130 {
        %add3A_404 = arith.constant 3 : i32
        %add3A_405 = arith.addi %add3A_93, %add3A_404 : i32
        %sub3A_406 = arith.constant 5 : i32
        %sub3A_407 = arith.subi %add3A_405, %sub3A_406 : i32
        %mul3A_408 = arith.constant 128 : i32
        %mul3A_409 = arith.muli %sub3A_407, %mul3A_408 : i32
        %add3A_410 = arith.addi %mul3A_2, %mul3A_409 : i32
        %dma_wait3A_411 = arith.constant 3 : i32
        %dma_wait3A_412 = arith.constant 3 : i32
        %dma_wait3A_413 = arith.constant 0 : i32
        %dma_wait3A_414 = arith.constant 0 : i32
        %dma_wait3A_415 = tpu.memref_slice %arg6[%dma_wait3A_411, %dma_wait3A_413, %dma_wait3A_414] : memref<5x128x128xf32, #tpu.memory_space<vmem>> -> memref<1x128x128xf32, #tpu.memory_space<vmem>>
        %dma_wait3A_416 = tpu.memref_squeeze %dma_wait3A_415 : memref<1x128x128xf32, #tpu.memory_space<vmem>> -> memref<128x128xf32, #tpu.memory_space<vmem>>
        %dma_wait3A_417 = arith.constant 0 : i32
        %dma_wait3A_418 = tpu.memref_slice %arg4[%add3A_410, %dma_wait3A_417] : memref<819200x128xf32, #tpu.memory_space<hbm>> -> memref<128x128xf32, #tpu.memory_space<hbm>>
        %dma_wait3A_419 = tpu.memref_slice %arg9[%dma_wait3A_412] : memref<5x!tpu.dma_semaphore, #tpu.memory_space<semaphore_mem>> -> memref<1x!tpu.dma_semaphore, #tpu.memory_space<semaphore_mem>>
        %dma_wait3A_420 = tpu.memref_squeeze %dma_wait3A_419 : memref<1x!tpu.dma_semaphore, #tpu.memory_space<semaphore_mem>> -> memref<!tpu.dma_semaphore, #tpu.memory_space<semaphore_mem>>
        %dma_wait3A_421 = arith.constant 0 : i32
        %dma_wait3A_422 = tpu.memref_slice %arg4[%add3A_410, %dma_wait3A_421] : memref<819200x128xf32, #tpu.memory_space<hbm>> -> memref<128x128xf32, #tpu.memory_space<hbm>>
        %dma_wait3A_423 = arith.constant 0 : i32
        %dma_wait3A_424 = arith.constant 0 : i32
        %dma_wait3A_425 = tpu.memref_slice %arg6[%dma_wait3A_411, %dma_wait3A_423, %dma_wait3A_424] : memref<5x128x128xf32, #tpu.memory_space<vmem>> -> memref<1x128x128xf32, #tpu.memory_space<vmem>>
        %dma_wait3A_426 = tpu.memref_squeeze %dma_wait3A_425 : memref<1x128x128xf32, #tpu.memory_space<vmem>> -> memref<128x128xf32, #tpu.memory_space<vmem>>
        tpu.wait_dma2 semaphore(%dma_wait3A_420 : memref<!tpu.dma_semaphore, #tpu.memory_space<semaphore_mem>>) src(%dma_wait3A_426 : memref<128x128xf32, #tpu.memory_space<vmem>>) dst(%dma_wait3A_422 : memref<128x128xf32, #tpu.memory_space<hbm>>)
      } else {
      }
      %add3A_131 = arith.constant 3 : i32
      %add3A_132 = arith.addi %add3A_93, %add3A_131 : i32
      %dma_start3A_133 = arith.constant 3 : i32
      %dma_start3A_134 = arith.constant 3 : i32
      %dma_start3A_135 = arith.constant 0 : i32
      %dma_start3A_136 = arith.constant 0 : i32
      %dma_start3A_137 = tpu.memref_slice %arg6[%dma_start3A_133, %dma_start3A_135, %dma_start3A_136] : memref<5x128x128xf32, #tpu.memory_space<vmem>> -> memref<1x128x128xf32, #tpu.memory_space<vmem>>
      %dma_start3A_138 = tpu.memref_squeeze %dma_start3A_137 : memref<1x128x128xf32, #tpu.memory_space<vmem>> -> memref<128x128xf32, #tpu.memory_space<vmem>>
      %dma_start3A_139 = arith.constant 0 : i32
      %dma_start3A_140 = tpu.memref_slice %arg5[%add3A_132, %dma_start3A_139] : memref<200x128xi32, #tpu.memory_space<vmem>> -> memref<1x128xi32, #tpu.memory_space<vmem>>
      %dma_start3A_141 = tpu.memref_squeeze %dma_start3A_140 : memref<1x128xi32, #tpu.memory_space<vmem>> -> memref<128xi32, #tpu.memory_space<vmem>>
      %dma_start3A_142 = arith.constant 0 : i32
      %dma_start3A_143 = arith.constant 0 : i32
      %dma_start3A_144 = tpu.memref_slice %arg7[%dma_start3A_142, %dma_start3A_143] : memref<1000x128xf32, #tpu.memory_space<vmem_shared>> -> memref<1000x128xf32, #tpu.memory_space<vmem_shared>>
      %dma_start3A_145 = tpu.memref_slice %arg8[%dma_start3A_134] : memref<5x!tpu.dma_semaphore, #tpu.memory_space<semaphore_mem>> -> memref<1x!tpu.dma_semaphore, #tpu.memory_space<semaphore_mem>>
      %dma_start3A_146 = tpu.memref_squeeze %dma_start3A_145 : memref<1x!tpu.dma_semaphore, #tpu.memory_space<semaphore_mem>> -> memref<!tpu.dma_semaphore, #tpu.memory_space<semaphore_mem>>
      tpu.enqueue_indirect_dma source(%dma_start3A_144 : memref<1000x128xf32, #tpu.memory_space<vmem_shared>>) target(%dma_start3A_138 : memref<128x128xf32, #tpu.memory_space<vmem>>) offsets(%dma_start3A_141 : memref<128xi32, #tpu.memory_space<vmem>>) semaphore(%dma_start3A_146 : memref<!tpu.dma_semaphore, #tpu.memory_space<semaphore_mem>>)
      %mul3A_147 = arith.constant 5 : i32
      %mul3A_148 = arith.muli %scan3A_89, %mul3A_147 : i32
      %add3A_149 = arith.constant 1 : i32
      %add3A_150 = arith.addi %mul3A_148, %add3A_149 : i32
      %dma_wait3A_151 = arith.constant 1 : i32
      %dma_wait3A_152 = arith.constant 1 : i32
      %dma_wait3A_153 = arith.constant 0 : i32
      %dma_wait3A_154 = arith.constant 0 : i32
      %dma_wait3A_155 = tpu.memref_slice %arg6[%dma_wait3A_151, %dma_wait3A_153, %dma_wait3A_154] : memref<5x128x128xf32, #tpu.memory_space<vmem>> -> memref<1x128x128xf32, #tpu.memory_space<vmem>>
      %dma_wait3A_156 = tpu.memref_squeeze %dma_wait3A_155 : memref<1x128x128xf32, #tpu.memory_space<vmem>> -> memref<128x128xf32, #tpu.memory_space<vmem>>
      %dma_wait3A_157 = arith.constant 0 : i32
      %dma_wait3A_158 = tpu.memref_slice %arg5[%add3A_150, %dma_wait3A_157] : memref<200x128xi32, #tpu.memory_space<vmem>> -> memref<1x128xi32, #tpu.memory_space<vmem>>
      %dma_wait3A_159 = tpu.memref_squeeze %dma_wait3A_158 : memref<1x128xi32, #tpu.memory_space<vmem>> -> memref<128xi32, #tpu.memory_space<vmem>>
      %dma_wait3A_160 = arith.constant 0 : i32
      %dma_wait3A_161 = arith.constant 0 : i32
      %dma_wait3A_162 = tpu.memref_slice %arg7[%dma_wait3A_160, %dma_wait3A_161] : memref<1000x128xf32, #tpu.memory_space<vmem_shared>> -> memref<1000x128xf32, #tpu.memory_space<vmem_shared>>
      %dma_wait3A_163 = tpu.memref_slice %arg8[%dma_wait3A_152] : memref<5x!tpu.dma_semaphore, #tpu.memory_space<semaphore_mem>> -> memref<1x!tpu.dma_semaphore, #tpu.memory_space<semaphore_mem>>
      %dma_wait3A_164 = tpu.memref_squeeze %dma_wait3A_163 : memref<1x!tpu.dma_semaphore, #tpu.memory_space<semaphore_mem>> -> memref<!tpu.dma_semaphore, #tpu.memory_space<semaphore_mem>>
      tpu.wait_indirect_dma semaphore(%dma_wait3A_164 : memref<!tpu.dma_semaphore, #tpu.memory_space<semaphore_mem>>) src(%dma_wait3A_162 : memref<1000x128xf32, #tpu.memory_space<vmem_shared>>) dst(%dma_wait3A_156 : memref<128x128xf32, #tpu.memory_space<vmem>>)
      %mul3A_165 = arith.constant 128 : i32
      %mul3A_166 = arith.muli %add3A_150, %mul3A_165 : i32
      %add3A_167 = arith.addi %mul3A_2, %mul3A_166 : i32
      %dma_start3A_168 = arith.constant 1 : i32
      %dma_start3A_169 = arith.constant 1 : i32
      %dma_start3A_170 = arith.constant 0 : i32
      %dma_start3A_171 = arith.constant 0 : i32
      %dma_start3A_172 = tpu.memref_slice %arg6[%dma_start3A_168, %dma_start3A_170, %dma_start3A_171] : memref<5x128x128xf32, #tpu.memory_space<vmem>> -> memref<1x128x128xf32, #tpu.memory_space<vmem>>
      %dma_start3A_173 = tpu.memref_squeeze %dma_start3A_172 : memref<1x128x128xf32, #tpu.memory_space<vmem>> -> memref<128x128xf32, #tpu.memory_space<vmem>>
      %dma_start3A_174 = arith.constant 0 : i32
      %dma_start3A_175 = tpu.memref_slice %arg4[%add3A_167, %dma_start3A_174] : memref<819200x128xf32, #tpu.memory_space<hbm>> -> memref<128x128xf32, #tpu.memory_space<hbm>>
      %dma_start3A_176 = tpu.memref_slice %arg9[%dma_start3A_169] : memref<5x!tpu.dma_semaphore, #tpu.memory_space<semaphore_mem>> -> memref<1x!tpu.dma_semaphore, #tpu.memory_space<semaphore_mem>>
      %dma_start3A_177 = tpu.memref_squeeze %dma_start3A_176 : memref<1x!tpu.dma_semaphore, #tpu.memory_space<semaphore_mem>> -> memref<!tpu.dma_semaphore, #tpu.memory_space<semaphore_mem>>
      %dma_start3A_178 = arith.constant 0 : i32
      %dma_start3A_179 = tpu.memref_slice %arg4[%add3A_167, %dma_start3A_178] : memref<819200x128xf32, #tpu.memory_space<hbm>> -> memref<128x128xf32, #tpu.memory_space<hbm>>
      %dma_start3A_180 = arith.constant 0 : i32
      %dma_start3A_181 = arith.constant 0 : i32
      %dma_start3A_182 = tpu.memref_slice %arg6[%dma_start3A_168, %dma_start3A_180, %dma_start3A_181] : memref<5x128x128xf32, #tpu.memory_space<vmem>> -> memref<1x128x128xf32, #tpu.memory_space<vmem>>
      %dma_start3A_183 = tpu.memref_squeeze %dma_start3A_182 : memref<1x128x128xf32, #tpu.memory_space<vmem>> -> memref<128x128xf32, #tpu.memory_space<vmem>>
      tpu.enqueue_dma source(%dma_start3A_183 : memref<128x128xf32, #tpu.memory_space<vmem>>) target(%dma_start3A_179 : memref<128x128xf32, #tpu.memory_space<hbm>>) target_semaphore(%dma_start3A_177 : memref<!tpu.dma_semaphore, #tpu.memory_space<semaphore_mem>>)
      %gt3A_184 = arith.constant 0 : i32
      %gt3A_185 = arith.cmpi sgt, %scan3A_89, %gt3A_184 : i32
      %convert_element_type3A_186 = arith.extui %gt3A_185 : i1 to i32
      %cond3A_187 = arith.constant 0 : i32
      %cond3A_188 = arith.cmpi ne, %convert_element_type3A_186, %cond3A_187 : i32
      scf.if %cond3A_188 {
        %add3A_404 = arith.constant 3 : i32
        %add3A_405 = arith.addi %add3A_150, %add3A_404 : i32
        %sub3A_406 = arith.constant 5 : i32
        %sub3A_407 = arith.subi %add3A_405, %sub3A_406 : i32
        %mul3A_408 = arith.constant 128 : i32
        %mul3A_409 = arith.muli %sub3A_407, %mul3A_408 : i32
        %add3A_410 = arith.addi %mul3A_2, %mul3A_409 : i32
        %dma_wait3A_411 = arith.constant 4 : i32
        %dma_wait3A_412 = arith.constant 4 : i32
        %dma_wait3A_413 = arith.constant 0 : i32
        %dma_wait3A_414 = arith.constant 0 : i32
        %dma_wait3A_415 = tpu.memref_slice %arg6[%dma_wait3A_411, %dma_wait3A_413, %dma_wait3A_414] : memref<5x128x128xf32, #tpu.memory_space<vmem>> -> memref<1x128x128xf32, #tpu.memory_space<vmem>>
        %dma_wait3A_416 = tpu.memref_squeeze %dma_wait3A_415 : memref<1x128x128xf32, #tpu.memory_space<vmem>> -> memref<128x128xf32, #tpu.memory_space<vmem>>
        %dma_wait3A_417 = arith.constant 0 : i32
        %dma_wait3A_418 = tpu.memref_slice %arg4[%add3A_410, %dma_wait3A_417] : memref<819200x128xf32, #tpu.memory_space<hbm>> -> memref<128x128xf32, #tpu.memory_space<hbm>>
        %dma_wait3A_419 = tpu.memref_slice %arg9[%dma_wait3A_412] : memref<5x!tpu.dma_semaphore, #tpu.memory_space<semaphore_mem>> -> memref<1x!tpu.dma_semaphore, #tpu.memory_space<semaphore_mem>>
        %dma_wait3A_420 = tpu.memref_squeeze %dma_wait3A_419 : memref<1x!tpu.dma_semaphore, #tpu.memory_space<semaphore_mem>> -> memref<!tpu.dma_semaphore, #tpu.memory_space<semaphore_mem>>
        %dma_wait3A_421 = arith.constant 0 : i32
        %dma_wait3A_422 = tpu.memref_slice %arg4[%add3A_410, %dma_wait3A_421] : memref<819200x128xf32, #tpu.memory_space<hbm>> -> memref<128x128xf32, #tpu.memory_space<hbm>>
        %dma_wait3A_423 = arith.constant 0 : i32
        %dma_wait3A_424 = arith.constant 0 : i32
        %dma_wait3A_425 = tpu.memref_slice %arg6[%dma_wait3A_411, %dma_wait3A_423, %dma_wait3A_424] : memref<5x128x128xf32, #tpu.memory_space<vmem>> -> memref<1x128x128xf32, #tpu.memory_space<vmem>>
        %dma_wait3A_426 = tpu.memref_squeeze %dma_wait3A_425 : memref<1x128x128xf32, #tpu.memory_space<vmem>> -> memref<128x128xf32, #tpu.memory_space<vmem>>
        tpu.wait_dma2 semaphore(%dma_wait3A_420 : memref<!tpu.dma_semaphore, #tpu.memory_space<semaphore_mem>>) src(%dma_wait3A_426 : memref<128x128xf32, #tpu.memory_space<vmem>>) dst(%dma_wait3A_422 : memref<128x128xf32, #tpu.memory_space<hbm>>)
      } else {
      }
      %add3A_189 = arith.constant 3 : i32
      %add3A_190 = arith.addi %add3A_150, %add3A_189 : i32
      %dma_start3A_191 = arith.constant 4 : i32
      %dma_start3A_192 = arith.constant 4 : i32
      %dma_start3A_193 = arith.constant 0 : i32
      %dma_start3A_194 = arith.constant 0 : i32
      %dma_start3A_195 = tpu.memref_slice %arg6[%dma_start3A_191, %dma_start3A_193, %dma_start3A_194] : memref<5x128x128xf32, #tpu.memory_space<vmem>> -> memref<1x128x128xf32, #tpu.memory_space<vmem>>
      %dma_start3A_196 = tpu.memref_squeeze %dma_start3A_195 : memref<1x128x128xf32, #tpu.memory_space<vmem>> -> memref<128x128xf32, #tpu.memory_space<vmem>>
      %dma_start3A_197 = arith.constant 0 : i32
      %dma_start3A_198 = tpu.memref_slice %arg5[%add3A_190, %dma_start3A_197] : memref<200x128xi32, #tpu.memory_space<vmem>> -> memref<1x128xi32, #tpu.memory_space<vmem>>
      %dma_start3A_199 = tpu.memref_squeeze %dma_start3A_198 : memref<1x128xi32, #tpu.memory_space<vmem>> -> memref<128xi32, #tpu.memory_space<vmem>>
      %dma_start3A_200 = arith.constant 0 : i32
      %dma_start3A_201 = arith.constant 0 : i32
      %dma_start3A_202 = tpu.memref_slice %arg7[%dma_start3A_200, %dma_start3A_201] : memref<1000x128xf32, #tpu.memory_space<vmem_shared>> -> memref<1000x128xf32, #tpu.memory_space<vmem_shared>>
      %dma_start3A_203 = tpu.memref_slice %arg8[%dma_start3A_192] : memref<5x!tpu.dma_semaphore, #tpu.memory_space<semaphore_mem>> -> memref<1x!tpu.dma_semaphore, #tpu.memory_space<semaphore_mem>>
      %dma_start3A_204 = tpu.memref_squeeze %dma_start3A_203 : memref<1x!tpu.dma_semaphore, #tpu.memory_space<semaphore_mem>> -> memref<!tpu.dma_semaphore, #tpu.memory_space<semaphore_mem>>
      tpu.enqueue_indirect_dma source(%dma_start3A_202 : memref<1000x128xf32, #tpu.memory_space<vmem_shared>>) target(%dma_start3A_196 : memref<128x128xf32, #tpu.memory_space<vmem>>) offsets(%dma_start3A_199 : memref<128xi32, #tpu.memory_space<vmem>>) semaphore(%dma_start3A_204 : memref<!tpu.dma_semaphore, #tpu.memory_space<semaphore_mem>>)
      %mul3A_205 = arith.constant 5 : i32
      %mul3A_206 = arith.muli %scan3A_89, %mul3A_205 : i32
      %add3A_207 = arith.constant 2 : i32
      %add3A_208 = arith.addi %mul3A_206, %add3A_207 : i32
      %dma_wait3A_209 = arith.constant 2 : i32
      %dma_wait3A_210 = arith.constant 2 : i32
      %dma_wait3A_211 = arith.constant 0 : i32
      %dma_wait3A_212 = arith.constant 0 : i32
      %dma_wait3A_213 = tpu.memref_slice %arg6[%dma_wait3A_209, %dma_wait3A_211, %dma_wait3A_212] : memref<5x128x128xf32, #tpu.memory_space<vmem>> -> memref<1x128x128xf32, #tpu.memory_space<vmem>>
      %dma_wait3A_214 = tpu.memref_squeeze %dma_wait3A_213 : memref<1x128x128xf32, #tpu.memory_space<vmem>> -> memref<128x128xf32, #tpu.memory_space<vmem>>
      %dma_wait3A_215 = arith.constant 0 : i32
      %dma_wait3A_216 = tpu.memref_slice %arg5[%add3A_208, %dma_wait3A_215] : memref<200x128xi32, #tpu.memory_space<vmem>> -> memref<1x128xi32, #tpu.memory_space<vmem>>
      %dma_wait3A_217 = tpu.memref_squeeze %dma_wait3A_216 : memref<1x128xi32, #tpu.memory_space<vmem>> -> memref<128xi32, #tpu.memory_space<vmem>>
      %dma_wait3A_218 = arith.constant 0 : i32
      %dma_wait3A_219 = arith.constant 0 : i32
      %dma_wait3A_220 = tpu.memref_slice %arg7[%dma_wait3A_218, %dma_wait3A_219] : memref<1000x128xf32, #tpu.memory_space<vmem_shared>> -> memref<1000x128xf32, #tpu.memory_space<vmem_shared>>
      %dma_wait3A_221 = tpu.memref_slice %arg8[%dma_wait3A_210] : memref<5x!tpu.dma_semaphore, #tpu.memory_space<semaphore_mem>> -> memref<1x!tpu.dma_semaphore, #tpu.memory_space<semaphore_mem>>
      %dma_wait3A_222 = tpu.memref_squeeze %dma_wait3A_221 : memref<1x!tpu.dma_semaphore, #tpu.memory_space<semaphore_mem>> -> memref<!tpu.dma_semaphore, #tpu.memory_space<semaphore_mem>>
      tpu.wait_indirect_dma semaphore(%dma_wait3A_222 : memref<!tpu.dma_semaphore, #tpu.memory_space<semaphore_mem>>) src(%dma_wait3A_220 : memref<1000x128xf32, #tpu.memory_space<vmem_shared>>) dst(%dma_wait3A_214 : memref<128x128xf32, #tpu.memory_space<vmem>>)
      %mul3A_223 = arith.constant 128 : i32
      %mul3A_224 = arith.muli %add3A_208, %mul3A_223 : i32
      %add3A_225 = arith.addi %mul3A_2, %mul3A_224 : i32
      %dma_start3A_226 = arith.constant 2 : i32
      %dma_start3A_227 = arith.constant 2 : i32
      %dma_start3A_228 = arith.constant 0 : i32
      %dma_start3A_229 = arith.constant 0 : i32
      %dma_start3A_230 = tpu.memref_slice %arg6[%dma_start3A_226, %dma_start3A_228, %dma_start3A_229] : memref<5x128x128xf32, #tpu.memory_space<vmem>> -> memref<1x128x128xf32, #tpu.memory_space<vmem>>
      %dma_start3A_231 = tpu.memref_squeeze %dma_start3A_230 : memref<1x128x128xf32, #tpu.memory_space<vmem>> -> memref<128x128xf32, #tpu.memory_space<vmem>>
      %dma_start3A_232 = arith.constant 0 : i32
      %dma_start3A_233 = tpu.memref_slice %arg4[%add3A_225, %dma_start3A_232] : memref<819200x128xf32, #tpu.memory_space<hbm>> -> memref<128x128xf32, #tpu.memory_space<hbm>>
      %dma_start3A_234 = tpu.memref_slice %arg9[%dma_start3A_227] : memref<5x!tpu.dma_semaphore, #tpu.memory_space<semaphore_mem>> -> memref<1x!tpu.dma_semaphore, #tpu.memory_space<semaphore_mem>>
      %dma_start3A_235 = tpu.memref_squeeze %dma_start3A_234 : memref<1x!tpu.dma_semaphore, #tpu.memory_space<semaphore_mem>> -> memref<!tpu.dma_semaphore, #tpu.memory_space<semaphore_mem>>
      %dma_start3A_236 = arith.constant 0 : i32
      %dma_start3A_237 = tpu.memref_slice %arg4[%add3A_225, %dma_start3A_236] : memref<819200x128xf32, #tpu.memory_space<hbm>> -> memref<128x128xf32, #tpu.memory_space<hbm>>
      %dma_start3A_238 = arith.constant 0 : i32
      %dma_start3A_239 = arith.constant 0 : i32
      %dma_start3A_240 = tpu.memref_slice %arg6[%dma_start3A_226, %dma_start3A_238, %dma_start3A_239] : memref<5x128x128xf32, #tpu.memory_space<vmem>> -> memref<1x128x128xf32, #tpu.memory_space<vmem>>
      %dma_start3A_241 = tpu.memref_squeeze %dma_start3A_240 : memref<1x128x128xf32, #tpu.memory_space<vmem>> -> memref<128x128xf32, #tpu.memory_space<vmem>>
      tpu.enqueue_dma source(%dma_start3A_241 : memref<128x128xf32, #tpu.memory_space<vmem>>) target(%dma_start3A_237 : memref<128x128xf32, #tpu.memory_space<hbm>>) target_semaphore(%dma_start3A_235 : memref<!tpu.dma_semaphore, #tpu.memory_space<semaphore_mem>>)
      %add3A_242 = arith.constant 3 : i32
      %add3A_243 = arith.addi %add3A_208, %add3A_242 : i32
      %sub3A = arith.constant 5 : i32
      %sub3A_244 = arith.subi %add3A_243, %sub3A : i32
      %mul3A_245 = arith.constant 128 : i32
      %mul3A_246 = arith.muli %sub3A_244, %mul3A_245 : i32
      %add3A_247 = arith.addi %mul3A_2, %mul3A_246 : i32
      %dma_wait3A_248 = arith.constant 0 : i32
      %dma_wait3A_249 = arith.constant 0 : i32
      %dma_wait3A_250 = arith.constant 0 : i32
      %dma_wait3A_251 = arith.constant 0 : i32
      %dma_wait3A_252 = tpu.memref_slice %arg6[%dma_wait3A_248, %dma_wait3A_250, %dma_wait3A_251] : memref<5x128x128xf32, #tpu.memory_space<vmem>> -> memref<1x128x128xf32, #tpu.memory_space<vmem>>
      %dma_wait3A_253 = tpu.memref_squeeze %dma_wait3A_252 : memref<1x128x128xf32, #tpu.memory_space<vmem>> -> memref<128x128xf32, #tpu.memory_space<vmem>>
      %dma_wait3A_254 = arith.constant 0 : i32
      %dma_wait3A_255 = tpu.memref_slice %arg4[%add3A_247, %dma_wait3A_254] : memref<819200x128xf32, #tpu.memory_space<hbm>> -> memref<128x128xf32, #tpu.memory_space<hbm>>
      %dma_wait3A_256 = tpu.memref_slice %arg9[%dma_wait3A_249] : memref<5x!tpu.dma_semaphore, #tpu.memory_space<semaphore_mem>> -> memref<1x!tpu.dma_semaphore, #tpu.memory_space<semaphore_mem>>
      %dma_wait3A_257 = tpu.memref_squeeze %dma_wait3A_256 : memref<1x!tpu.dma_semaphore, #tpu.memory_space<semaphore_mem>> -> memref<!tpu.dma_semaphore, #tpu.memory_space<semaphore_mem>>
      %dma_wait3A_258 = arith.constant 0 : i32
      %dma_wait3A_259 = tpu.memref_slice %arg4[%add3A_247, %dma_wait3A_258] : memref<819200x128xf32, #tpu.memory_space<hbm>> -> memref<128x128xf32, #tpu.memory_space<hbm>>
      %dma_wait3A_260 = arith.constant 0 : i32
      %dma_wait3A_261 = arith.constant 0 : i32
      %dma_wait3A_262 = tpu.memref_slice %arg6[%dma_wait3A_248, %dma_wait3A_260, %dma_wait3A_261] : memref<5x128x128xf32, #tpu.memory_space<vmem>> -> memref<1x128x128xf32, #tpu.memory_space<vmem>>
      %dma_wait3A_263 = tpu.memref_squeeze %dma_wait3A_262 : memref<1x128x128xf32, #tpu.memory_space<vmem>> -> memref<128x128xf32, #tpu.memory_space<vmem>>
      tpu.wait_dma2 semaphore(%dma_wait3A_257 : memref<!tpu.dma_semaphore, #tpu.memory_space<semaphore_mem>>) src(%dma_wait3A_263 : memref<128x128xf32, #tpu.memory_space<vmem>>) dst(%dma_wait3A_259 : memref<128x128xf32, #tpu.memory_space<hbm>>)
      %add3A_264 = arith.constant 3 : i32
      %add3A_265 = arith.addi %add3A_208, %add3A_264 : i32
      %lt3A = arith.constant 200 : i32
      %lt3A_266 = arith.cmpi slt, %add3A_265, %lt3A : i32
      %convert_element_type3A_267 = arith.extui %lt3A_266 : i1 to i32
      %cond3A_268 = arith.constant 0 : i32
      %cond3A_269 = arith.cmpi ne, %convert_element_type3A_267, %cond3A_268 : i32
      scf.if %cond3A_269 {
        %add3A_404 = arith.constant 3 : i32
        %add3A_405 = arith.addi %add3A_208, %add3A_404 : i32
        %dma_start3A_406 = arith.constant 0 : i32
        %dma_start3A_407 = arith.constant 0 : i32
        %dma_start3A_408 = arith.constant 0 : i32
        %dma_start3A_409 = arith.constant 0 : i32
        %dma_start3A_410 = tpu.memref_slice %arg6[%dma_start3A_406, %dma_start3A_408, %dma_start3A_409] : memref<5x128x128xf32, #tpu.memory_space<vmem>> -> memref<1x128x128xf32, #tpu.memory_space<vmem>>
        %dma_start3A_411 = tpu.memref_squeeze %dma_start3A_410 : memref<1x128x128xf32, #tpu.memory_space<vmem>> -> memref<128x128xf32, #tpu.memory_space<vmem>>
        %dma_start3A_412 = arith.constant 0 : i32
        %dma_start3A_413 = tpu.memref_slice %arg5[%add3A_405, %dma_start3A_412] : memref<200x128xi32, #tpu.memory_space<vmem>> -> memref<1x128xi32, #tpu.memory_space<vmem>>
        %dma_start3A_414 = tpu.memref_squeeze %dma_start3A_413 : memref<1x128xi32, #tpu.memory_space<vmem>> -> memref<128xi32, #tpu.memory_space<vmem>>
        %dma_start3A_415 = arith.constant 0 : i32
        %dma_start3A_416 = arith.constant 0 : i32
        %dma_start3A_417 = tpu.memref_slice %arg7[%dma_start3A_415, %dma_start3A_416] : memref<1000x128xf32, #tpu.memory_space<vmem_shared>> -> memref<1000x128xf32, #tpu.memory_space<vmem_shared>>
        %dma_start3A_418 = tpu.memref_slice %arg8[%dma_start3A_407] : memref<5x!tpu.dma_semaphore, #tpu.memory_space<semaphore_mem>> -> memref<1x!tpu.dma_semaphore, #tpu.memory_space<semaphore_mem>>
        %dma_start3A_419 = tpu.memref_squeeze %dma_start3A_418 : memref<1x!tpu.dma_semaphore, #tpu.memory_space<semaphore_mem>> -> memref<!tpu.dma_semaphore, #tpu.memory_space<semaphore_mem>>
        tpu.enqueue_indirect_dma source(%dma_start3A_417 : memref<1000x128xf32, #tpu.memory_space<vmem_shared>>) target(%dma_start3A_411 : memref<128x128xf32, #tpu.memory_space<vmem>>) offsets(%dma_start3A_414 : memref<128xi32, #tpu.memory_space<vmem>>) semaphore(%dma_start3A_419 : memref<!tpu.dma_semaphore, #tpu.memory_space<semaphore_mem>>)
      } else {
      }
      %mul3A_270 = arith.constant 5 : i32
      %mul3A_271 = arith.muli %scan3A_89, %mul3A_270 : i32
      %add3A_272 = arith.constant 3 : i32
      %add3A_273 = arith.addi %mul3A_271, %add3A_272 : i32
      %dma_wait3A_274 = arith.constant 3 : i32
      %dma_wait3A_275 = arith.constant 3 : i32
      %dma_wait3A_276 = arith.constant 0 : i32
      %dma_wait3A_277 = arith.constant 0 : i32
      %dma_wait3A_278 = tpu.memref_slice %arg6[%dma_wait3A_274, %dma_wait3A_276, %dma_wait3A_277] : memref<5x128x128xf32, #tpu.memory_space<vmem>> -> memref<1x128x128xf32, #tpu.memory_space<vmem>>
      %dma_wait3A_279 = tpu.memref_squeeze %dma_wait3A_278 : memref<1x128x128xf32, #tpu.memory_space<vmem>> -> memref<128x128xf32, #tpu.memory_space<vmem>>
      %dma_wait3A_280 = arith.constant 0 : i32
      %dma_wait3A_281 = tpu.memref_slice %arg5[%add3A_273, %dma_wait3A_280] : memref<200x128xi32, #tpu.memory_space<vmem>> -> memref<1x128xi32, #tpu.memory_space<vmem>>
      %dma_wait3A_282 = tpu.memref_squeeze %dma_wait3A_281 : memref<1x128xi32, #tpu.memory_space<vmem>> -> memref<128xi32, #tpu.memory_space<vmem>>
      %dma_wait3A_283 = arith.constant 0 : i32
      %dma_wait3A_284 = arith.constant 0 : i32
      %dma_wait3A_285 = tpu.memref_slice %arg7[%dma_wait3A_283, %dma_wait3A_284] : memref<1000x128xf32, #tpu.memory_space<vmem_shared>> -> memref<1000x128xf32, #tpu.memory_space<vmem_shared>>
      %dma_wait3A_286 = tpu.memref_slice %arg8[%dma_wait3A_275] : memref<5x!tpu.dma_semaphore, #tpu.memory_space<semaphore_mem>> -> memref<1x!tpu.dma_semaphore, #tpu.memory_space<semaphore_mem>>
      %dma_wait3A_287 = tpu.memref_squeeze %dma_wait3A_286 : memref<1x!tpu.dma_semaphore, #tpu.memory_space<semaphore_mem>> -> memref<!tpu.dma_semaphore, #tpu.memory_space<semaphore_mem>>
      tpu.wait_indirect_dma semaphore(%dma_wait3A_287 : memref<!tpu.dma_semaphore, #tpu.memory_space<semaphore_mem>>) src(%dma_wait3A_285 : memref<1000x128xf32, #tpu.memory_space<vmem_shared>>) dst(%dma_wait3A_279 : memref<128x128xf32, #tpu.memory_space<vmem>>)
      %mul3A_288 = arith.constant 128 : i32
      %mul3A_289 = arith.muli %add3A_273, %mul3A_288 : i32
      %add3A_290 = arith.addi %mul3A_2, %mul3A_289 : i32
      %dma_start3A_291 = arith.constant 3 : i32
      %dma_start3A_292 = arith.constant 3 : i32
      %dma_start3A_293 = arith.constant 0 : i32
      %dma_start3A_294 = arith.constant 0 : i32
      %dma_start3A_295 = tpu.memref_slice %arg6[%dma_start3A_291, %dma_start3A_293, %dma_start3A_294] : memref<5x128x128xf32, #tpu.memory_space<vmem>> -> memref<1x128x128xf32, #tpu.memory_space<vmem>>
      %dma_start3A_296 = tpu.memref_squeeze %dma_start3A_295 : memref<1x128x128xf32, #tpu.memory_space<vmem>> -> memref<128x128xf32, #tpu.memory_space<vmem>>
      %dma_start3A_297 = arith.constant 0 : i32
      %dma_start3A_298 = tpu.memref_slice %arg4[%add3A_290, %dma_start3A_297] : memref<819200x128xf32, #tpu.memory_space<hbm>> -> memref<128x128xf32, #tpu.memory_space<hbm>>
      %dma_start3A_299 = tpu.memref_slice %arg9[%dma_start3A_292] : memref<5x!tpu.dma_semaphore, #tpu.memory_space<semaphore_mem>> -> memref<1x!tpu.dma_semaphore, #tpu.memory_space<semaphore_mem>>
      %dma_start3A_300 = tpu.memref_squeeze %dma_start3A_299 : memref<1x!tpu.dma_semaphore, #tpu.memory_space<semaphore_mem>> -> memref<!tpu.dma_semaphore, #tpu.memory_space<semaphore_mem>>
      %dma_start3A_301 = arith.constant 0 : i32
      %dma_start3A_302 = tpu.memref_slice %arg4[%add3A_290, %dma_start3A_301] : memref<819200x128xf32, #tpu.memory_space<hbm>> -> memref<128x128xf32, #tpu.memory_space<hbm>>
      %dma_start3A_303 = arith.constant 0 : i32
      %dma_start3A_304 = arith.constant 0 : i32
      %dma_start3A_305 = tpu.memref_slice %arg6[%dma_start3A_291, %dma_start3A_303, %dma_start3A_304] : memref<5x128x128xf32, #tpu.memory_space<vmem>> -> memref<1x128x128xf32, #tpu.memory_space<vmem>>
      %dma_start3A_306 = tpu.memref_squeeze %dma_start3A_305 : memref<1x128x128xf32, #tpu.memory_space<vmem>> -> memref<128x128xf32, #tpu.memory_space<vmem>>
      tpu.enqueue_dma source(%dma_start3A_306 : memref<128x128xf32, #tpu.memory_space<vmem>>) target(%dma_start3A_302 : memref<128x128xf32, #tpu.memory_space<hbm>>) target_semaphore(%dma_start3A_300 : memref<!tpu.dma_semaphore, #tpu.memory_space<semaphore_mem>>)
      %add3A_307 = arith.constant 3 : i32
      %add3A_308 = arith.addi %add3A_273, %add3A_307 : i32
      %sub3A_309 = arith.constant 5 : i32
      %sub3A_310 = arith.subi %add3A_308, %sub3A_309 : i32
      %mul3A_311 = arith.constant 128 : i32
      %mul3A_312 = arith.muli %sub3A_310, %mul3A_311 : i32
      %add3A_313 = arith.addi %mul3A_2, %mul3A_312 : i32
      %dma_wait3A_314 = arith.constant 1 : i32
      %dma_wait3A_315 = arith.constant 1 : i32
      %dma_wait3A_316 = arith.constant 0 : i32
      %dma_wait3A_317 = arith.constant 0 : i32
      %dma_wait3A_318 = tpu.memref_slice %arg6[%dma_wait3A_314, %dma_wait3A_316, %dma_wait3A_317] : memref<5x128x128xf32, #tpu.memory_space<vmem>> -> memref<1x128x128xf32, #tpu.memory_space<vmem>>
      %dma_wait3A_319 = tpu.memref_squeeze %dma_wait3A_318 : memref<1x128x128xf32, #tpu.memory_space<vmem>> -> memref<128x128xf32, #tpu.memory_space<vmem>>
      %dma_wait3A_320 = arith.constant 0 : i32
      %dma_wait3A_321 = tpu.memref_slice %arg4[%add3A_313, %dma_wait3A_320] : memref<819200x128xf32, #tpu.memory_space<hbm>> -> memref<128x128xf32, #tpu.memory_space<hbm>>
      %dma_wait3A_322 = tpu.memref_slice %arg9[%dma_wait3A_315] : memref<5x!tpu.dma_semaphore, #tpu.memory_space<semaphore_mem>> -> memref<1x!tpu.dma_semaphore, #tpu.memory_space<semaphore_mem>>
      %dma_wait3A_323 = tpu.memref_squeeze %dma_wait3A_322 : memref<1x!tpu.dma_semaphore, #tpu.memory_space<semaphore_mem>> -> memref<!tpu.dma_semaphore, #tpu.memory_space<semaphore_mem>>
      %dma_wait3A_324 = arith.constant 0 : i32
      %dma_wait3A_325 = tpu.memref_slice %arg4[%add3A_313, %dma_wait3A_324] : memref<819200x128xf32, #tpu.memory_space<hbm>> -> memref<128x128xf32, #tpu.memory_space<hbm>>
      %dma_wait3A_326 = arith.constant 0 : i32
      %dma_wait3A_327 = arith.constant 0 : i32
      %dma_wait3A_328 = tpu.memref_slice %arg6[%dma_wait3A_314, %dma_wait3A_326, %dma_wait3A_327] : memref<5x128x128xf32, #tpu.memory_space<vmem>> -> memref<1x128x128xf32, #tpu.memory_space<vmem>>
      %dma_wait3A_329 = tpu.memref_squeeze %dma_wait3A_328 : memref<1x128x128xf32, #tpu.memory_space<vmem>> -> memref<128x128xf32, #tpu.memory_space<vmem>>
      tpu.wait_dma2 semaphore(%dma_wait3A_323 : memref<!tpu.dma_semaphore, #tpu.memory_space<semaphore_mem>>) src(%dma_wait3A_329 : memref<128x128xf32, #tpu.memory_space<vmem>>) dst(%dma_wait3A_325 : memref<128x128xf32, #tpu.memory_space<hbm>>)
      %add3A_330 = arith.constant 3 : i32
      %add3A_331 = arith.addi %add3A_273, %add3A_330 : i32
      %lt3A_332 = arith.constant 200 : i32
      %lt3A_333 = arith.cmpi slt, %add3A_331, %lt3A_332 : i32
      %convert_element_type3A_334 = arith.extui %lt3A_333 : i1 to i32
      %cond3A_335 = arith.constant 0 : i32
      %cond3A_336 = arith.cmpi ne, %convert_element_type3A_334, %cond3A_335 : i32
      scf.if %cond3A_336 {
        %add3A_404 = arith.constant 3 : i32
        %add3A_405 = arith.addi %add3A_273, %add3A_404 : i32
        %dma_start3A_406 = arith.constant 1 : i32
        %dma_start3A_407 = arith.constant 1 : i32
        %dma_start3A_408 = arith.constant 0 : i32
        %dma_start3A_409 = arith.constant 0 : i32
        %dma_start3A_410 = tpu.memref_slice %arg6[%dma_start3A_406, %dma_start3A_408, %dma_start3A_409] : memref<5x128x128xf32, #tpu.memory_space<vmem>> -> memref<1x128x128xf32, #tpu.memory_space<vmem>>
        %dma_start3A_411 = tpu.memref_squeeze %dma_start3A_410 : memref<1x128x128xf32, #tpu.memory_space<vmem>> -> memref<128x128xf32, #tpu.memory_space<vmem>>
        %dma_start3A_412 = arith.constant 0 : i32
        %dma_start3A_413 = tpu.memref_slice %arg5[%add3A_405, %dma_start3A_412] : memref<200x128xi32, #tpu.memory_space<vmem>> -> memref<1x128xi32, #tpu.memory_space<vmem>>
        %dma_start3A_414 = tpu.memref_squeeze %dma_start3A_413 : memref<1x128xi32, #tpu.memory_space<vmem>> -> memref<128xi32, #tpu.memory_space<vmem>>
        %dma_start3A_415 = arith.constant 0 : i32
        %dma_start3A_416 = arith.constant 0 : i32
        %dma_start3A_417 = tpu.memref_slice %arg7[%dma_start3A_415, %dma_start3A_416] : memref<1000x128xf32, #tpu.memory_space<vmem_shared>> -> memref<1000x128xf32, #tpu.memory_space<vmem_shared>>
        %dma_start3A_418 = tpu.memref_slice %arg8[%dma_start3A_407] : memref<5x!tpu.dma_semaphore, #tpu.memory_space<semaphore_mem>> -> memref<1x!tpu.dma_semaphore, #tpu.memory_space<semaphore_mem>>
        %dma_start3A_419 = tpu.memref_squeeze %dma_start3A_418 : memref<1x!tpu.dma_semaphore, #tpu.memory_space<semaphore_mem>> -> memref<!tpu.dma_semaphore, #tpu.memory_space<semaphore_mem>>
        tpu.enqueue_indirect_dma source(%dma_start3A_417 : memref<1000x128xf32, #tpu.memory_space<vmem_shared>>) target(%dma_start3A_411 : memref<128x128xf32, #tpu.memory_space<vmem>>) offsets(%dma_start3A_414 : memref<128xi32, #tpu.memory_space<vmem>>) semaphore(%dma_start3A_419 : memref<!tpu.dma_semaphore, #tpu.memory_space<semaphore_mem>>)
      } else {
      }
      %mul3A_337 = arith.constant 5 : i32
      %mul3A_338 = arith.muli %scan3A_89, %mul3A_337 : i32
      %add3A_339 = arith.constant 4 : i32
      %add3A_340 = arith.addi %mul3A_338, %add3A_339 : i32
      %dma_wait3A_341 = arith.constant 4 : i32
      %dma_wait3A_342 = arith.constant 4 : i32
      %dma_wait3A_343 = arith.constant 0 : i32
      %dma_wait3A_344 = arith.constant 0 : i32
      %dma_wait3A_345 = tpu.memref_slice %arg6[%dma_wait3A_341, %dma_wait3A_343, %dma_wait3A_344] : memref<5x128x128xf32, #tpu.memory_space<vmem>> -> memref<1x128x128xf32, #tpu.memory_space<vmem>>
      %dma_wait3A_346 = tpu.memref_squeeze %dma_wait3A_345 : memref<1x128x128xf32, #tpu.memory_space<vmem>> -> memref<128x128xf32, #tpu.memory_space<vmem>>
      %dma_wait3A_347 = arith.constant 0 : i32
      %dma_wait3A_348 = tpu.memref_slice %arg5[%add3A_340, %dma_wait3A_347] : memref<200x128xi32, #tpu.memory_space<vmem>> -> memref<1x128xi32, #tpu.memory_space<vmem>>
      %dma_wait3A_349 = tpu.memref_squeeze %dma_wait3A_348 : memref<1x128xi32, #tpu.memory_space<vmem>> -> memref<128xi32, #tpu.memory_space<vmem>>
      %dma_wait3A_350 = arith.constant 0 : i32
      %dma_wait3A_351 = arith.constant 0 : i32
      %dma_wait3A_352 = tpu.memref_slice %arg7[%dma_wait3A_350, %dma_wait3A_351] : memref<1000x128xf32, #tpu.memory_space<vmem_shared>> -> memref<1000x128xf32, #tpu.memory_space<vmem_shared>>
      %dma_wait3A_353 = tpu.memref_slice %arg8[%dma_wait3A_342] : memref<5x!tpu.dma_semaphore, #tpu.memory_space<semaphore_mem>> -> memref<1x!tpu.dma_semaphore, #tpu.memory_space<semaphore_mem>>
      %dma_wait3A_354 = tpu.memref_squeeze %dma_wait3A_353 : memref<1x!tpu.dma_semaphore, #tpu.memory_space<semaphore_mem>> -> memref<!tpu.dma_semaphore, #tpu.memory_space<semaphore_mem>>
      tpu.wait_indirect_dma semaphore(%dma_wait3A_354 : memref<!tpu.dma_semaphore, #tpu.memory_space<semaphore_mem>>) src(%dma_wait3A_352 : memref<1000x128xf32, #tpu.memory_space<vmem_shared>>) dst(%dma_wait3A_346 : memref<128x128xf32, #tpu.memory_space<vmem>>)
      %mul3A_355 = arith.constant 128 : i32
      %mul3A_356 = arith.muli %add3A_340, %mul3A_355 : i32
      %add3A_357 = arith.addi %mul3A_2, %mul3A_356 : i32
      %dma_start3A_358 = arith.constant 4 : i32
      %dma_start3A_359 = arith.constant 4 : i32
      %dma_start3A_360 = arith.constant 0 : i32
      %dma_start3A_361 = arith.constant 0 : i32
      %dma_start3A_362 = tpu.memref_slice %arg6[%dma_start3A_358, %dma_start3A_360, %dma_start3A_361] : memref<5x128x128xf32, #tpu.memory_space<vmem>> -> memref<1x128x128xf32, #tpu.memory_space<vmem>>
      %dma_start3A_363 = tpu.memref_squeeze %dma_start3A_362 : memref<1x128x128xf32, #tpu.memory_space<vmem>> -> memref<128x128xf32, #tpu.memory_space<vmem>>
      %dma_start3A_364 = arith.constant 0 : i32
      %dma_start3A_365 = tpu.memref_slice %arg4[%add3A_357, %dma_start3A_364] : memref<819200x128xf32, #tpu.memory_space<hbm>> -> memref<128x128xf32, #tpu.memory_space<hbm>>
      %dma_start3A_366 = tpu.memref_slice %arg9[%dma_start3A_359] : memref<5x!tpu.dma_semaphore, #tpu.memory_space<semaphore_mem>> -> memref<1x!tpu.dma_semaphore, #tpu.memory_space<semaphore_mem>>
      %dma_start3A_367 = tpu.memref_squeeze %dma_start3A_366 : memref<1x!tpu.dma_semaphore, #tpu.memory_space<semaphore_mem>> -> memref<!tpu.dma_semaphore, #tpu.memory_space<semaphore_mem>>
      %dma_start3A_368 = arith.constant 0 : i32
      %dma_start3A_369 = tpu.memref_slice %arg4[%add3A_357, %dma_start3A_368] : memref<819200x128xf32, #tpu.memory_space<hbm>> -> memref<128x128xf32, #tpu.memory_space<hbm>>
      %dma_start3A_370 = arith.constant 0 : i32
      %dma_start3A_371 = arith.constant 0 : i32
      %dma_start3A_372 = tpu.memref_slice %arg6[%dma_start3A_358, %dma_start3A_370, %dma_start3A_371] : memref<5x128x128xf32, #tpu.memory_space<vmem>> -> memref<1x128x128xf32, #tpu.memory_space<vmem>>
      %dma_start3A_373 = tpu.memref_squeeze %dma_start3A_372 : memref<1x128x128xf32, #tpu.memory_space<vmem>> -> memref<128x128xf32, #tpu.memory_space<vmem>>
      tpu.enqueue_dma source(%dma_start3A_373 : memref<128x128xf32, #tpu.memory_space<vmem>>) target(%dma_start3A_369 : memref<128x128xf32, #tpu.memory_space<hbm>>) target_semaphore(%dma_start3A_367 : memref<!tpu.dma_semaphore, #tpu.memory_space<semaphore_mem>>)
      %add3A_374 = arith.constant 3 : i32
      %add3A_375 = arith.addi %add3A_340, %add3A_374 : i32
      %sub3A_376 = arith.constant 5 : i32
      %sub3A_377 = arith.subi %add3A_375, %sub3A_376 : i32
      %mul3A_378 = arith.constant 128 : i32
      %mul3A_379 = arith.muli %sub3A_377, %mul3A_378 : i32
      %add3A_380 = arith.addi %mul3A_2, %mul3A_379 : i32
      %dma_wait3A_381 = arith.constant 2 : i32
      %dma_wait3A_382 = arith.constant 2 : i32
      %dma_wait3A_383 = arith.constant 0 : i32
      %dma_wait3A_384 = arith.constant 0 : i32
      %dma_wait3A_385 = tpu.memref_slice %arg6[%dma_wait3A_381, %dma_wait3A_383, %dma_wait3A_384] : memref<5x128x128xf32, #tpu.memory_space<vmem>> -> memref<1x128x128xf32, #tpu.memory_space<vmem>>
      %dma_wait3A_386 = tpu.memref_squeeze %dma_wait3A_385 : memref<1x128x128xf32, #tpu.memory_space<vmem>> -> memref<128x128xf32, #tpu.memory_space<vmem>>
      %dma_wait3A_387 = arith.constant 0 : i32
      %dma_wait3A_388 = tpu.memref_slice %arg4[%add3A_380, %dma_wait3A_387] : memref<819200x128xf32, #tpu.memory_space<hbm>> -> memref<128x128xf32, #tpu.memory_space<hbm>>
      %dma_wait3A_389 = tpu.memref_slice %arg9[%dma_wait3A_382] : memref<5x!tpu.dma_semaphore, #tpu.memory_space<semaphore_mem>> -> memref<1x!tpu.dma_semaphore, #tpu.memory_space<semaphore_mem>>
      %dma_wait3A_390 = tpu.memref_squeeze %dma_wait3A_389 : memref<1x!tpu.dma_semaphore, #tpu.memory_space<semaphore_mem>> -> memref<!tpu.dma_semaphore, #tpu.memory_space<semaphore_mem>>
      %dma_wait3A_391 = arith.constant 0 : i32
      %dma_wait3A_392 = tpu.memref_slice %arg4[%add3A_380, %dma_wait3A_391] : memref<819200x128xf32, #tpu.memory_space<hbm>> -> memref<128x128xf32, #tpu.memory_space<hbm>>
      %dma_wait3A_393 = arith.constant 0 : i32
      %dma_wait3A_394 = arith.constant 0 : i32
      %dma_wait3A_395 = tpu.memref_slice %arg6[%dma_wait3A_381, %dma_wait3A_393, %dma_wait3A_394] : memref<5x128x128xf32, #tpu.memory_space<vmem>> -> memref<1x128x128xf32, #tpu.memory_space<vmem>>
      %dma_wait3A_396 = tpu.memref_squeeze %dma_wait3A_395 : memref<1x128x128xf32, #tpu.memory_space<vmem>> -> memref<128x128xf32, #tpu.memory_space<vmem>>
      tpu.wait_dma2 semaphore(%dma_wait3A_390 : memref<!tpu.dma_semaphore, #tpu.memory_space<semaphore_mem>>) src(%dma_wait3A_396 : memref<128x128xf32, #tpu.memory_space<vmem>>) dst(%dma_wait3A_392 : memref<128x128xf32, #tpu.memory_space<hbm>>)
      %add3A_397 = arith.constant 3 : i32
      %add3A_398 = arith.addi %add3A_340, %add3A_397 : i32
      %lt3A_399 = arith.constant 200 : i32
      %lt3A_400 = arith.cmpi slt, %add3A_398, %lt3A_399 : i32
      %convert_element_type3A_401 = arith.extui %lt3A_400 : i1 to i32
      %cond3A_402 = arith.constant 0 : i32
      %cond3A_403 = arith.cmpi ne, %convert_element_type3A_401, %cond3A_402 : i32
      scf.if %cond3A_403 {
        %add3A_404 = arith.constant 3 : i32
        %add3A_405 = arith.addi %add3A_340, %add3A_404 : i32
        %dma_start3A_406 = arith.constant 2 : i32
        %dma_start3A_407 = arith.constant 2 : i32
        %dma_start3A_408 = arith.constant 0 : i32
        %dma_start3A_409 = arith.constant 0 : i32
        %dma_start3A_410 = tpu.memref_slice %arg6[%dma_start3A_406, %dma_start3A_408, %dma_start3A_409] : memref<5x128x128xf32, #tpu.memory_space<vmem>> -> memref<1x128x128xf32, #tpu.memory_space<vmem>>
        %dma_start3A_411 = tpu.memref_squeeze %dma_start3A_410 : memref<1x128x128xf32, #tpu.memory_space<vmem>> -> memref<128x128xf32, #tpu.memory_space<vmem>>
        %dma_start3A_412 = arith.constant 0 : i32
        %dma_start3A_413 = tpu.memref_slice %arg5[%add3A_405, %dma_start3A_412] : memref<200x128xi32, #tpu.memory_space<vmem>> -> memref<1x128xi32, #tpu.memory_space<vmem>>
        %dma_start3A_414 = tpu.memref_squeeze %dma_start3A_413 : memref<1x128xi32, #tpu.memory_space<vmem>> -> memref<128xi32, #tpu.memory_space<vmem>>
        %dma_start3A_415 = arith.constant 0 : i32
        %dma_start3A_416 = arith.constant 0 : i32
        %dma_start3A_417 = tpu.memref_slice %arg7[%dma_start3A_415, %dma_start3A_416] : memref<1000x128xf32, #tpu.memory_space<vmem_shared>> -> memref<1000x128xf32, #tpu.memory_space<vmem_shared>>
        %dma_start3A_418 = tpu.memref_slice %arg8[%dma_start3A_407] : memref<5x!tpu.dma_semaphore, #tpu.memory_space<semaphore_mem>> -> memref<1x!tpu.dma_semaphore, #tpu.memory_space<semaphore_mem>>
        %dma_start3A_419 = tpu.memref_squeeze %dma_start3A_418 : memref<1x!tpu.dma_semaphore, #tpu.memory_space<semaphore_mem>> -> memref<!tpu.dma_semaphore, #tpu.memory_space<semaphore_mem>>
        tpu.enqueue_indirect_dma source(%dma_start3A_417 : memref<1000x128xf32, #tpu.memory_space<vmem_shared>>) target(%dma_start3A_411 : memref<128x128xf32, #tpu.memory_space<vmem>>) offsets(%dma_start3A_414 : memref<128xi32, #tpu.memory_space<vmem>>) semaphore(%dma_start3A_419 : memref<!tpu.dma_semaphore, #tpu.memory_space<semaphore_mem>>)
      } else {
      }
    }
    %scan3A_53 = arith.constant 40 : i32
    %add3A_54 = arith.constant 25344 : i32
    %add3A_55 = arith.addi %mul3A_2, %add3A_54 : i32
    %dma_wait3A = arith.constant 3 : i32
    %dma_wait3A_56 = arith.constant 3 : i32
    %dma_wait3A_57 = arith.constant 0 : i32
    %dma_wait3A_58 = arith.constant 0 : i32
    %dma_wait3A_59 = tpu.memref_slice %arg6[%dma_wait3A, %dma_wait3A_57, %dma_wait3A_58] : memref<5x128x128xf32, #tpu.memory_space<vmem>> -> memref<1x128x128xf32, #tpu.memory_space<vmem>>
    %dma_wait3A_60 = tpu.memref_squeeze %dma_wait3A_59 : memref<1x128x128xf32, #tpu.memory_space<vmem>> -> memref<128x128xf32, #tpu.memory_space<vmem>>
    %dma_wait3A_61 = arith.constant 0 : i32
    %dma_wait3A_62 = tpu.memref_slice %arg4[%add3A_55, %dma_wait3A_61] : memref<819200x128xf32, #tpu.memory_space<hbm>> -> memref<128x128xf32, #tpu.memory_space<hbm>>
    %dma_wait3A_63 = tpu.memref_slice %arg9[%dma_wait3A_56] : memref<5x!tpu.dma_semaphore, #tpu.memory_space<semaphore_mem>> -> memref<1x!tpu.dma_semaphore, #tpu.memory_space<semaphore_mem>>
    %dma_wait3A_64 = tpu.memref_squeeze %dma_wait3A_63 : memref<1x!tpu.dma_semaphore, #tpu.memory_space<semaphore_mem>> -> memref<!tpu.dma_semaphore, #tpu.memory_space<semaphore_mem>>
    %dma_wait3A_65 = arith.constant 0 : i32
    %dma_wait3A_66 = tpu.memref_slice %arg4[%add3A_55, %dma_wait3A_65] : memref<819200x128xf32, #tpu.memory_space<hbm>> -> memref<128x128xf32, #tpu.memory_space<hbm>>
    %dma_wait3A_67 = arith.constant 0 : i32
    %dma_wait3A_68 = arith.constant 0 : i32
    %dma_wait3A_69 = tpu.memref_slice %arg6[%dma_wait3A, %dma_wait3A_67, %dma_wait3A_68] : memref<5x128x128xf32, #tpu.memory_space<vmem>> -> memref<1x128x128xf32, #tpu.memory_space<vmem>>
    %dma_wait3A_70 = tpu.memref_squeeze %dma_wait3A_69 : memref<1x128x128xf32, #tpu.memory_space<vmem>> -> memref<128x128xf32, #tpu.memory_space<vmem>>
    tpu.wait_dma2 semaphore(%dma_wait3A_64 : memref<!tpu.dma_semaphore, #tpu.memory_space<semaphore_mem>>) src(%dma_wait3A_70 : memref<128x128xf32, #tpu.memory_space<vmem>>) dst(%dma_wait3A_66 : memref<128x128xf32, #tpu.memory_space<hbm>>)
    %add3A_71 = arith.constant 25472 : i32
    %add3A_72 = arith.addi %mul3A_2, %add3A_71 : i32
    %dma_wait3A_73 = arith.constant 4 : i32
    %dma_wait3A_74 = arith.constant 4 : i32
    %dma_wait3A_75 = arith.constant 0 : i32
    %dma_wait3A_76 = arith.constant 0 : i32
    %dma_wait3A_77 = tpu.memref_slice %arg6[%dma_wait3A_73, %dma_wait3A_75, %dma_wait3A_76] : memref<5x128x128xf32, #tpu.memory_space<vmem>> -> memref<1x128x128xf32, #tpu.memory_space<vmem>>
    %dma_wait3A_78 = tpu.memref_squeeze %dma_wait3A_77 : memref<1x128x128xf32, #tpu.memory_space<vmem>> -> memref<128x128xf32, #tpu.memory_space<vmem>>
    %dma_wait3A_79 = arith.constant 0 : i32
    %dma_wait3A_80 = tpu.memref_slice %arg4[%add3A_72, %dma_wait3A_79] : memref<819200x128xf32, #tpu.memory_space<hbm>> -> memref<128x128xf32, #tpu.memory_space<hbm>>
    %dma_wait3A_81 = tpu.memref_slice %arg9[%dma_wait3A_74] : memref<5x!tpu.dma_semaphore, #tpu.memory_space<semaphore_mem>> -> memref<1x!tpu.dma_semaphore, #tpu.memory_space<semaphore_mem>>
    %dma_wait3A_82 = tpu.memref_squeeze %dma_wait3A_81 : memref<1x!tpu.dma_semaphore, #tpu.memory_space<semaphore_mem>> -> memref<!tpu.dma_semaphore, #tpu.memory_space<semaphore_mem>>
    %dma_wait3A_83 = arith.constant 0 : i32
    %dma_wait3A_84 = tpu.memref_slice %arg4[%add3A_72, %dma_wait3A_83] : memref<819200x128xf32, #tpu.memory_space<hbm>> -> memref<128x128xf32, #tpu.memory_space<hbm>>
    %dma_wait3A_85 = arith.constant 0 : i32
    %dma_wait3A_86 = arith.constant 0 : i32
    %dma_wait3A_87 = tpu.memref_slice %arg6[%dma_wait3A_73, %dma_wait3A_85, %dma_wait3A_86] : memref<5x128x128xf32, #tpu.memory_space<vmem>> -> memref<1x128x128xf32, #tpu.memory_space<vmem>>
    %dma_wait3A_88 = tpu.memref_squeeze %dma_wait3A_87 : memref<1x128x128xf32, #tpu.memory_space<vmem>> -> memref<128x128xf32, #tpu.memory_space<vmem>>
    tpu.wait_dma2 semaphore(%dma_wait3A_82 : memref<!tpu.dma_semaphore, #tpu.memory_space<semaphore_mem>>) src(%dma_wait3A_88 : memref<128x128xf32, #tpu.memory_space<vmem>>) dst(%dma_wait3A_84 : memref<128x128xf32, #tpu.memory_space<hbm>>)
    return
  }
}

</mosaic_0001>

<sc_bundles>
// kernel: kernel.3.cloned.1.call-start
scs
__scs_entry_jumppad:
0x0: {  	(pc) =	sbr.rel $0x88, $3  }
0x1: {  	(tag) =	ssettag $0x0;
	lr =	simm.s32 $0x1  }
0x2: {  	[smem:$0x3F9F] =	sst lr;
	_ =	strace $0xD0000000  }
0x3: {  	_ = 	snop  }
0x4: {  	_ = 	snop  }
0x5: {  	_ = 	snop  }
0x6: {  	_ = 	snop  }
0x7: {  	_ = 	snop  }
__scs_overlays_trampoline_lowered:
0x8: {  	[smem:$0x3FAE] =	sst s0  }
0x9: {  	[smem:$0x3FAF] =	sst s1  }
0xa: {  	[smem:$0x3FB0] =	sst s2  }
0xb: {  	[smem:$0x3FB1] =	sst s3  }
0xc: {  	[smem:$0x3FB2] =	sst s4  }
0xd: {  	[smem:$0x3FB3] =	sst s5  }
0xe: {  	[smem:$0x3FB4] =	sst s6  }
0xf: {  	[smem:$0x3FB5] =	sst s7  }
0x10: {  	[smem:$0x3FB6] =	sst s8  }
0x11: {  	[smem:$0x3FB7] =	sst s9;
	s0 =	simm.s32 @!p0 $0x0  }
0x12: {  	s1 =	sld [smem:$0x3F9D];
	s0 =	simm.s32 @p0 $0x1  }
0x13: {  	[smem:$0x3FB8] =	sst s0;
	s0 =	simm.s32 @!p1 $0x0  }
0x14: {  	s2 =	sld [smem:$0x3F9C];
	s0 =	simm.s32 @p1 $0x1  }
0x15: {  	[smem:$0x3FB9] =	sst s0;
	s0 =	simm.s32 @!p2 $0x0  }
0x16: {  	s3 =	sld [smem:$0x3FDB];
	s0 =	simm.s32 @p2 $0x1  }
0x17: {  	s4 =	simm.s32 $0x1BF5;
	[smem:$0x3FBB] =	sst s0  }
0x18: {  	s0 =	sld [smem:$0x3F9E];
	_ =	swait.ge [sflag:s4], $0x0  }
0x19: {  	s7 =	sld [smem:$0x3F9F]  }
0x1a: {  	s8 =	sadd.s32 $0xFFFFE003, lr  }
0x1b: {  	s9 =	sadd.s32 $0xFFFFFEF7, lr;
	s5 =	simm.s32 $0xFFFFFFFF;
	p2 =	slt.u32 s8, $0xFFFFF086  }
0x1c: {  	p1 =	slt.u32 s9, $0xF7A;
	s5 =	simm.s32 @!p2 $0x0  }
0x1d: {  	s5 =	simm.s32 @p1 $0x1;
	p0 =	seq.s32 s7, s2  }
0x1e: {  	s7 =	smul.u32 @!p0 $0xF7A, s2;
	p2 =	seq.s32 @!p0 s5, $0x0  }
0x1f: {  	s9 =	smul.u32 $0xF7A, s1;
	s8 =	simm.s32 @!p0 $0x1BF5;
	p2 =	por !p2, p0  }
0x20: {  	[sflag:s8] =	ssyncset.s32 @!p0 $0xFFFFF086;
	s6 =	sadd.s32 @!p0 s3, s7;
	s7 =	simm.s32 @!p0 $0x108  }
0x21: {  	s3 =	sadd.s32 s3, s9;
	s6 =	sadd.s32 @!p0 $0x88, s6;
	s7 =	simm.s32 @p2 $0x1082  }
0x22: {  	[simem:s7], [sflag:s8] =	dma.local @!p0 [hbm:s6], $0xF7A  }
0x23: {  	s9 =	sor.u32 $0xD0000000, s2;
	s6 =	simm.s32 $0x108;
	_ =	swait.ge @!p0 [sflag:s8], $0x0  }
0x24: {  	s3 =	sadd.s32 $0x88, s3;
	s6 =	simm.s32 @!p1 $0x1082;
	[sflag:s4] =	ssyncset.s32 $0xFFFFF086  }
0x25: {  	[simem:s6], [sflag:s4] =	dma.local [hbm:s3], $0xF7A  }
0x26: {  	[smem:$0x3F9F] =	sst s1;
	(tag) =	ssettag s2;
	_ =	strace s9  }
0x27: {  	s1 =	sld [smem:$0x3FAF]  }
0x28: {  	s2 =	sld [smem:$0x3FB0]  }
0x29: {  	s4 =	sld [smem:$0x3FB2]  }
0x2a: {  	p0 =	seq.s32 s5, $0x0;
	s5 =	sld [smem:$0x3FB3]  }
0x2b: {  	s6 =	sld [smem:$0x3FB4]  }
0x2c: {  	s7 =	sld [smem:$0x3FB5]  }
0x2d: {  	s3 =	simm.s32 $0x108;
	s8 =	sld [smem:$0x3FB6]  }
0x2e: {  	s3 =	simm.s32 @!p0 $0x1082;
	s9 =	sld [smem:$0x3FB7]  }
0x2f: {  	lr =	sadd.s32 s0, s3;
	s0 =	sld [smem:$0x3FAE]  }
0x30: {  	s3 =	sld [smem:$0x3FB1]  }
0x31: {  	[smem:$0x3FBA] =	sst s10  }
0x32: {  	s10 =	sld [smem:$0x3FB8];
	_ =	sdelay $0x3  }
0x33: {  	p0 =	seq.s32 s10, $0x1;
	s10 =	sld [smem:$0x3FBA];
	_ =	sdelay $0x3  }
0x34: {  	[smem:$0x3FBA] =	sst s10  }
0x35: {  	s10 =	sld [smem:$0x3FB9];
	_ =	sdelay $0x3  }
0x36: {  	p1 =	seq.s32 s10, $0x1;
	s10 =	sld [smem:$0x3FBA];
	_ =	sdelay $0x3  }
0x37: {  	[smem:$0x3FBA] =	sst s10  }
0x38: {  	s10 =	sld [smem:$0x3FBB]  }
0x39: {  	_ = 	snop;
	(pc) =	sbr.ind lr, $3  }
0x3a: {  	_ = 	snop  }
0x3b: {  	_ = 	snop  }
0x3c: {  	p2 =	seq.s32 s10, $0x1;
	s10 =	sld [smem:$0x3FBA]  }
0x3d: {  	_ =	shalt  }
0x3e: {  	_ =	shalt  }
0x3f: {  	_ =	shalt  }
0x40: {  	_ =	shalt  }
0x41: {  	_ =	shalt  }
0x42: {  	_ =	shalt  }
0x43: {  	_ =	shalt  }
0x44: {  	_ =	shalt  }
0x45: {  	_ =	shalt  }
0x46: {  	_ =	shalt  }
0x47: {  	_ =	shalt  }
0x48: {  	_ =	shalt  }
0x49: {  	_ =	shalt  }
0x4a: {  	_ =	shalt  }
0x4b: {  	_ =	shalt  }
0x4c: {  	_ =	shalt  }
0x4d: {  	_ =	shalt  }
0x4e: {  	_ =	shalt  }
0x4f: {  	_ =	shalt  }
0x50: {  	_ =	shalt  }
0x51: {  	_ =	shalt  }
0x52: {  	_ =	shalt  }
0x53: {  	_ =	shalt  }
0x54: {  	_ =	shalt  }
0x55: {  	_ =	shalt  }
0x56: {  	_ =	shalt  }
0x57: {  	_ =	shalt  }
0x58: {  	_ =	shalt  }
0x59: {  	_ =	shalt  }
0x5a: {  	_ =	shalt  }
0x5b: {  	_ =	shalt  }
0x5c: {  	_ =	shalt  }
0x5d: {  	_ =	shalt  }
0x5e: {  	_ =	shalt  }
0x5f: {  	_ =	shalt  }
0x60: {  	_ =	shalt  }
0x61: {  	_ =	shalt  }
0x62: {  	_ =	shalt  }
0x63: {  	_ =	shalt  }
0x64: {  	_ =	shalt  }
0x65: {  	_ =	shalt  }
0x66: {  	_ =	shalt  }
0x67: {  	_ =	shalt  }
0x68: {  	_ =	shalt  }
0x69: {  	_ =	shalt  }
0x6a: {  	_ =	shalt  }
0x6b: {  	_ =	shalt  }
0x6c: {  	_ =	shalt  }
0x6d: {  	_ =	shalt  }
0x6e: {  	_ =	shalt  }
0x6f: {  	_ =	shalt  }
0x70: {  	_ =	shalt  }
0x71: {  	_ =	shalt  }
0x72: {  	_ =	shalt  }
0x73: {  	_ =	shalt  }
0x74: {  	_ =	shalt  }
0x75: {  	_ =	shalt  }
0x76: {  	_ =	shalt  }
0x77: {  	_ =	shalt  }
0x78: {  	_ =	shalt  }
0x79: {  	_ =	shalt  }
0x7a: {  	_ =	shalt  }
0x7b: {  	_ =	shalt  }
0x7c: {  	_ =	shalt  }
0x7d: {  	_ =	shalt  }
0x7e: {  	_ =	shalt  }
0x7f: {  	_ =	shalt  }
0x80: {  	_ =	shalt  }
0x81: {  	_ =	shalt  }
0x82: {  	_ =	shalt  }
0x83: {  	_ =	shalt  }
0x84: {  	_ =	shalt  }
0x85: {  	_ =	shalt  }
0x86: {  	_ =	shalt  }
0x87: {  	_ =	shalt  }
.Lfunc_end0:
.L_simem_size_0:
called_computation_lowered:
.L_overlay_start_0:
0x88: {  	s2 =	sld [smem:$0x3FD9]  }
0x89: {  	s3 =	sld [smem:$0x3FFE];
	_ =	sdelay $0x1  }
0x8a: {  	s1 =	srdreg.scid  }
0x8b: {  	s0 =	sand.u32 $0x1, s1  }
0x8c: {  	s17 =	sshll.u32 s0, $0xA;
	s2 =	sadd.s32 s3, s2  }
0x8d: {  	s2 =	sadd.s32 s2, s17  }
0x8e: {  	[smem:$0x3FC6] =	sst s2  }
0x8f: {  	_ = 	snop  }
0x90: {  	s2 =	sld [smem:$0x3FC8]  }
0x91: {  	s18 =	sld [smem:$0x3FD0];
	(tm) =	ssettm $0x1  }
0x92: {  	s4 =	sld [smem:$0x3FFB];
	_ =	sdelay $0x3  }
0x93: {  	_ =	strace s4  }
0x94: {  	s4 =	sld [smem:$0x3FFC];
	_ =	sdelay $0x3  }
0x95: {  	_ =	strace s4  }
0x96: {  	s4 =	sld [smem:$0x3FFD];
	_ =	sdelay $0x3  }
0x97: {  	_ =	strace s4  }
0x98: {  	_ =	strace $0x8FFFFFFF  }
0x99: {  	s19 =	sld [smem:$0x3FDB];
	_ =	sdelay $0x1  }
0x9a: {  	s5 =	simm.s32 $_scs_section_size  }
0x9b: {  	s6 =	simm.s32 $_size__tile_overlayer_lowered;
	s7 =	simm.s32 $_tile_overlayer_lowered  }
0x9c: {  	s22 =	simm.s32 $0x1BFF;
	s21 =	sshll.u32 s7, $0x1;
	s4 =	sadd.s32 s5, s19  }
0x9d: {  	s8 =	simm.s32 $0x0;
	s20 =	sshll.u32 s6, $0x1;
	s6 =	sadd.s32 s21, s4  }
0x9e: {  	[timem:s8], [sflag:s22] =	dma.local [hbm:s6], s20  }
0x9f: {  	_ =	swait.ge [sflag:s22], s20  }
0xa0: {  	s5 =	ssub.s32 $0x0, s20;
	[sflag:s22] =	ssyncset.done $0x0  }
0xa1: {  	[sflag:s22] =	ssyncadd.s32 s5;
	_ =	sdelay $0x1  }
0xa2: {  	s23 =	simm.s32 $0x1B8B  }
0xa3: {  	_ =	swait.ge [sflag:s23], $0x1  }
0xa4: {  	[sflag:s23] =	ssyncset.done $0x0  }
0xa5: {  	s25 =	simm.s32 $0x1B8E;
	s24 =	sld [smem:$0x3FFE];
	[sflag:s23] =	ssyncadd.s32 $0xFFFFFFFF  }
0xa6: {  	s26 =	simm.s32 $execute0_lowered;
	[smem:$0x3FD2] =	sst s25  }
0xa7: {  	s6 =	sshll.u32 s26, $0x1;
	_ =	strace $0x80000046;
	[dreg:$0x1] =	wrdreg $0xFFFFFFFF  }
0xa8: {  	s28 =	simm.s32 $_size_execute0_lowered;
	s4 =	sadd.s32 s4, s6;
	[dreg:$0x0] =	wrdreg $0x0  }
0xa9: {  	s6 =	sshll.u32 s28, $0x1;
	[dreg:$0x2] =	wrdreg s4  }
0xaa: {  	[dreg:$0x3] =	wrdreg s6  }
0xab: {  	[dreg:$0x4] =	wrdreg $0xC0  }
0xac: {  	_ =	task [dreg:s8], $0x5FFFF  }
0xad: {  	[dreg:$0x1] =	wrdreg $0xFFFFFFFF  }
0xae: {  	[dreg:$0x0] =	wrdreg $0x60  }
0xaf: {  	[dreg:$0x2] =	wrdreg s24  }
0xb0: {  	[dreg:$0x3] =	wrdreg s2  }
0xb1: {  	[dreg:$0x4] =	wrdreg s18  }
0xb2: {  	[dreg:$0x5] =	wrdreg $0x1A4000  }
0xb3: {  	[dreg:$0x6] =	wrdreg $0x9  }
0xb4: {  	_ =	task.clear_ibuf [dreg:s8], $0x7FFFF;
	_ =	strace $0x90000046  }
0xb5: {  	s29 =	simm.s32 $0x9;
	_ =	strace $0x80000048  }
0xb6: {  	_ =	swait.ge [sflag:s29], $0x1  }
0xb7: {  	[sflag:s29] =	ssyncadd.s32 $0xFFFFFFFF  }
0xb8: {  	_ =	strace $0x90000048  }
0xb9: {  	_ =	sfence  }
0xba: {  	s30 =	sld [smem:$0x0];
	_ =	sdelay $0x2  }
0xbb: {  	s31 =	sshll.u32 s1, $0xD;
	s1 =	sshrl.u32 s1, $0x2  }
0xbc: {  	s3 =	sand.u32 $0x4000, s31;
	s1 =	sadd.s32 s1, s30  }
0xbd: {  	s0 =	sor.u32 s3, s0;
	s1 =	sshll.u32 s1, $0x11  }
0xbe: {  	s0 =	sor.u32 s1, s0  }
0xbf: {  	s0 =	sadd.s32 $0x8F2B, s0  }
0xc0: {  	[sflag:s0] =	ssyncadd.remote.s32 $0x1  }
0xc1: {  	_ =	sfence.sel $0xFFFF  }
0xc2: {  	[dreg:$0x0] =	wrdreg $0xFFFFFFFF;
	(pc) =	sbr.abs _section_cstart, $3  }
0xc3: {  	[dreg:$0x1] =	wrdreg $0xFFFFFFFF  }
0xc4: {  	_ =	task.clear_ibuf [dreg:s8], $0x2FFFF;
	_ =	strace $0x9FFFFFFF  }
0xc5: {  	(tm) =	ssettm $0x7FFFFFFF  }
tec
execute0_lowered:
.L_overlay_start_1:
0x0: {  	(tag) =	ssettag $0x1  }
0x1: {  	s4 =	rddreg [dreg:$0x0]  }
0x2: {  	s5 =	rddreg [dreg:$0x2];
	s1 =	srdreg.scid  }
0x3: {  	s6 =	stileid.u32;
	s2 =	rddreg [dreg:$0x3];
	s3 =	simm.s32 $0x0  }
0x4: {  	s11 =	simm.s32 $0xA400;
	s13 =	simm.s32 $0xE400;
	s14 =	simm.s32 $0x1  }
0x5: {  	s15 =	simm.s32 $0x12400;
	s16 =	simm.s32 $0x2;
	s17 =	simm.s32 $0x16400  }
0x6: {  	s18 =	simm.s32 $0x3;
	s19 =	simm.s32 $0x6;
	s20 =	simm.s32 $0x4  }
0x7: {  	s21 =	simm.s32 $0x7;
	s22 =	simm.s32 $0x5;
	s23 =	simm.s32 $0x8  }
0x8: {  	s24 =	simm.s32 $0x9;
	s25 =	simm.s32 $0xA;
	s26 =	simm.s32 $0x0  }
0x9: {  	s7 =	sand.u32 $0x1, s1;
	s8 =	sshll.u32 s6, $0x1;
	s10 =	smul.u32 $0xC8000, s6  }
0xa: {  	s8 =	sor.u32 s7, s8;
	s9 =	ssub.s32 $0x2, s7;
	s7 =	smul.u32 $0x64000, s7  }
0xb: {  	[smem:$0x7FF] =	sst s3;
	p0 =	sne.s32 s6, $0x0;
	s8 =	smul.u32 $0x6400, s8  }
.Ltmp0:
0xc: {  	_ =	strace $0x80000047;
	s31 =	sadd.s32 s10, s5;
	(pc) =	sbr.rel .LBB2_1-.Ltmp0, $4  }
0xd: {  	s30 =	sshrl.u32 s9, $0x1;
	s10 =	simm.s32 $0x6400;
	s7 =	sadd.s32 s7, s31  }
0xe: {  	s8 =	sshrl.u32 s8, $0x3;
	s6 =	sadd.s32 $0x1000, s7;
	s7 =	sshrl.u32 @!p0 s2, $0x3  }
0xf: {  	s4 =	sadd.s32 s8, s4;
	s8 =	ssub.s32 s9, s30;
	s9 =	simm.s32 $0x80  }
0x10: {  	s4 =	sadd.s32 $0x400, s4;
	s5 =	smax.u32 s8, $0x1;
	s8 =	simm.s32 $0xB  }
.LBB2_4:
0x11: {  	s26 =	sadd.s32 $0x1, s26  }
0x12: {  	_ =	swait.ge [sflag:s24], $0x4000;
	p1 =	sne.s32 s26, s5  }
.Ltmp1:
0x13: {  	[sflag:s24] =	ssyncset.done $0x0;
	(pc) =	sbr.rel @!p1 .LBB2_5-.Ltmp1, $4  }
0x14: {  	[sflag:s24] =	ssyncadd.s32 $0xFFFFC000  }
0x15: {  	_ =	swait.ge [sflag:s25], $0x4000  }
0x16: {  	[sflag:s25] =	ssyncset.done $0x0  }
0x17: {  	[sflag:s25] =	ssyncadd.s32 $0xFFFFC000  }
.LBB2_1:
0x18: {  	s28 =	simm.s32 @!p0 $0x1C0B;
	s0 =	rddreg [dreg:$0x1]  }
0x19: {  	[spmem:s7], [sflag:s28] =	dma.local @!p0 [hbm:s0], $0x3E80  }
0x1a: {  	s28 =	simm.s32 @!p0 $0xB  }
0x1b: {  	_ =	swait.ge @!p0 [sflag:s28], $0x3E80  }
0x1c: {  	[sflag:s28] =	ssyncset.done @!p0 $0x0  }
0x1d: {  	[sflag:s28] =	ssyncadd.s32 @!p0 $0xFFFFC180  }
0x1e: {  	[tilespmem:s3], [sflag:$0xB] =	stream.linear.gather [hbm4b:s4+s3], $0x6400, $0x38;
	[tilespmem:$0x1C340] =	vst v63  }
0x1f: {  	_ =	swait.ge [sflag:s8], $0x6400  }
0x20: {  	[sflag:s8] =	ssyncset.done $0x0  }
0x21: {  	[sflag:s8] =	ssyncadd.s32 $0xFFFF9C00  }
0x22: {  	[bflag:$0x0] =	sbarrier.arrive $0xFFFF  }
0x23: {  	[tilespmem:s10], [sflag:$0x1] =	stream.indirect.gather [spmem:s2], $0x80, s3, s9, $0xb8;
	[tilespmem:$0x1C340] =	vst v63  }
0x24: {  	_ = 	snop  }
0x25: {  	[tilespmem:s11], [sflag:$0x2] =	stream.indirect.gather [spmem:s2], $0x80, s9, s9, $0xb8;
	[tilespmem:$0x1C340] =	vst v63  }
0x26: {  	s31 =	simm.s32 $0x100;
	s29 =	simm.s32 $0x0;
	s28 =	smov.u32 s6  }
0x27: {  	[tilespmem:s13], [sflag:$0x3] =	stream.indirect.gather [spmem:s2], $0x80, s31, s9, $0xb8;
	[tilespmem:$0x1C340] =	vst v63  }
.LBB2_2:
0x28: {  	_ =	swait.ge [sflag:s14], $0x4000  }
0x29: {  	p1 =	seq.s32 s29, $0x0;
	[sflag:s14] =	ssyncset.done $0x0  }
0x2a: {  	s30 =	sadd.s32 $0xFFFFF000, s28;
	s31 =	simm.s32 @!p1 $0x9;
	[sflag:s14] =	ssyncadd.s32 $0xFFFFC000  }
0x2b: {  	[hbm4b:s30+s3] =	stream.linear.scatter [tilespmem:s10], [sflag:$0x6], $0x4000, $0x38;
	[tilespmem:$0x1C340] =	vst v63  }
0x2c: {  	_ =	swait.ge @!p1 [sflag:s31], $0x4000  }
0x2d: {  	s30 =	sshra.s32 s29, $0x2;
	[sflag:s31] =	ssyncset.done @!p1 $0x0  }
0x2e: {  	s12 =	sadd.s32 $0x180, s30;
	[sflag:s31] =	ssyncadd.s32 @!p1 $0xFFFFC000  }
0x2f: {  	[tilespmem:s15], [sflag:$0x4] =	stream.indirect.gather [spmem:s2], $0x80, s12, s9, $0xb8;
	[tilespmem:$0x1C340] =	vst v63  }
0x30: {  	_ =	swait.ge [sflag:s16], $0x4000  }
0x31: {  	[sflag:s16] =	ssyncset.done $0x0  }
0x32: {  	s0 =	sadd.s32 $0xFFFFF800, s28;
	s31 =	simm.s32 @!p1 $0xA;
	[sflag:s16] =	ssyncadd.s32 $0xFFFFC000  }
0x33: {  	[hbm4b:s0+s3] =	stream.linear.scatter [tilespmem:s11], [sflag:$0x7], $0x4000, $0x38;
	[tilespmem:$0x1C340] =	vst v63  }
0x34: {  	_ =	swait.ge @!p1 [sflag:s31], $0x4000  }
0x35: {  	[sflag:s31] =	ssyncset.done @!p1 $0x0  }
0x36: {  	s1 =	sadd.s32 $0x200, s30;
	[sflag:s31] =	ssyncadd.s32 @!p1 $0xFFFFC000  }
0x37: {  	[tilespmem:s17], [sflag:$0x5] =	stream.indirect.gather [spmem:s2], $0x80, s1, s9, $0xb8;
	[tilespmem:$0x1C340] =	vst v63  }
0x38: {  	_ =	swait.ge [sflag:s18], $0x4000  }
0x39: {  	[sflag:s18] =	ssyncset.done $0x0  }
0x3a: {  	[sflag:s18] =	ssyncadd.s32 $0xFFFFC000  }
0x3b: {  	[hbm4b:s28+s3] =	stream.linear.scatter [tilespmem:s13], [sflag:$0x8], $0x4000, $0x38;
	[tilespmem:$0x1C340] =	vst v63  }
0x3c: {  	p1 =	seq.s32 s29, $0x18600;
	_ =	swait.ge [sflag:s19], $0x4000  }
0x3d: {  	s31 =	sshra.s32 @!p1 s29, $0x2;
	s0 =	simm.s32 @!p1 $0x80;
	[sflag:s19] =	ssyncset.done $0x0  }
0x3e: {  	s12 =	simm.s32 @!p1 $0x6400;
	s1 =	sadd.s32 @!p1 $0x280, s31;
	[sflag:s19] =	ssyncadd.s32 $0xFFFFC000  }
0x3f: {  	[tilespmem:s12], [sflag:$0x1] =	stream.indirect.gather @!p1 [spmem:s2], $0x80, s1, s0, $0xb8;
	[tilespmem:$0x1C340] =	vst v63  }
0x40: {  	_ =	swait.ge [sflag:s20], $0x4000  }
0x41: {  	[sflag:s20] =	ssyncset.done $0x0  }
0x42: {  	s12 =	sadd.s32 $0x800, s28;
	[sflag:s20] =	ssyncadd.s32 $0xFFFFC000  }
0x43: {  	[hbm4b:s12+s3] =	stream.linear.scatter [tilespmem:s15], [sflag:$0x9], $0x4000, $0x38;
	[tilespmem:$0x1C340] =	vst v63  }
0x44: {  	_ =	swait.ge [sflag:s21], $0x4000  }
0x45: {  	[sflag:s21] =	ssyncset.done $0x0  }
0x46: {  	s1 =	sadd.s32 @!p1 $0x300, s31;
	s12 =	simm.s32 @!p1 $0xA400;
	[sflag:s21] =	ssyncadd.s32 $0xFFFFC000  }
0x47: {  	[tilespmem:s12], [sflag:$0x2] =	stream.indirect.gather @!p1 [spmem:s2], $0x80, s1, s0, $0xb8;
	[tilespmem:$0x1C340] =	vst v63  }
0x48: {  	_ =	swait.ge [sflag:s22], $0x4000  }
0x49: {  	[sflag:s22] =	ssyncset.done $0x0  }
.Ltmp2:
0x4a: {  	s31 =	sadd.s32 $0x1000, s28;
	[sflag:s22] =	ssyncadd.s32 $0xFFFFC000;
	(pc) =	sbr.rel @p1 .LBB2_4-.Ltmp2, $4  }
0x4b: {  	[hbm4b:s31+s3] =	stream.linear.scatter [tilespmem:s17], [sflag:$0xA], $0x4000, $0x38;
	[tilespmem:$0x1C340] =	vst v63  }
0x4c: {  	_ =	swait.ge [sflag:s23], $0x4000  }
0x4d: {  	[sflag:s23] =	ssyncset.done $0x0  }
0x4e: {  	[sflag:s23] =	ssyncadd.s32 $0xFFFFC000  }
.Ltmp3:
0x4f: {  	(pc) =	sbr.rel .LBB2_2-.Ltmp3, $3  }
0x50: {  	_ =	sdelay $0x1  }
0x51: {  	s0 =	sadd.s32 $0x380, s30;
	s29 =	sadd.s32 $0xA00, s29;
	s28 =	sadd.s32 $0x2800, s28  }
0x52: {  	[tilespmem:s13], [sflag:$0x3] =	stream.indirect.gather [spmem:s2], $0x80, s0, s9, $0xb8;
	[tilespmem:$0x1C340] =	vst v63  }
.LBB2_5:
0x53: {  	_ =	sfence.sel $0x180000  }
0x54: {  	[bflag:$0x0] =	sbarrier.arrive $0xFFFF  }
0x55: {  	_ =	strace $0x90000047  }
0x56: {  	[bflag:$0x2] =	sbarrier.arrive $0xFFFF  }
0x57: {  	s0 =	rddreg [dreg:$0x4]  }
0x58: {  	s0 =	sadd.s32 @!p0 $0x100000, s0  }
0x59: {  	[sflag:s0] =	ssyncadd.tile.s32 @!p0 $0x1;
	_ =	shalt  }
.Lfunc_end2:
_tile_overlayer_lowered:
.L_overlay_start_2:
0x5a: {  	(tag) =	ssettag $0x2  }
0x5b: {  	s0 =	rddreg [dreg:$0x0];
	s2 =	stileid.u32  }
0x5c: {  	s1 =	rddreg [dreg:$0x1];
	p0 =	sne.s32 s2, $0x0  }
0x5d: {  	s3 =	rddreg [dreg:$0x2];
	[bflag:$0x3] =	sbarrier.arrive $0xFFFF;
	s2 =	simm.s32 @!p0 $0x1C0B  }
0x5e: {  	[timem:s3], [sflag:s2] =	dma.local @!p0 [hbm:s0], s1  }
0x5f: {  	s0 =	simm.s32 @!p0 $0xB  }
0x60: {  	_ =	swait.ge @!p0 [sflag:s0], s1  }
0x61: {  	s1 =	ssub.s32 @!p0 $0x0, s1;
	[sflag:s0] =	ssyncset.done @!p0 $0x0  }
0x62: {  	[sflag:s0] =	ssyncadd.s32 @!p0 s1  }
0x63: {  	[bflag:$0x3] =	sbarrier.arrive $0xFFFF  }
0x64: {  	_ =	shalt  }

</sc_bundles>
